<compile_context>
chip_gen: v7x
topology: tpu7x:2x2x1
jax: 0.10.2.dev20260603
libtpu: 0.0.44.dev20260713+nightly
codegen_flags: <defaults>
</compile_context>

<pallas_src>
import functools

import jax
import jax.numpy as jnp
from jax import lax
from jax.experimental import pallas as pl
from jax.experimental.pallas import tpu as pltpu
from jax.experimental.pallas import tpu_sc as plsc

N_FIELDS = 26
VOCAB = 100000
EMBED_DIM = 16
BATCH = 16384

NUM_CORES = 2
NUM_SUBCORES = 16
NUM_WORKERS = NUM_CORES * NUM_SUBCORES
PAIRS = N_FIELDS * EMBED_DIM
PAIRS_PER_WORKER = PAIRS // NUM_WORKERS
LANES = 16


def _body(xt_hbm, tab_hbm, out_hbm, row_v, idx_v, ov0_v, ov1_v,
          semr, semi, semw0, semw1):
    wid = lax.axis_index("s") * NUM_CORES + lax.axis_index("c")
    p0 = wid * PAIRS_PER_WORKER
    ov_bufs = (ov0_v, ov1_v)
    ov_sems = (semw0, semw1)
    QROWS = BATCH // 128 // 4

    def out_slice(p, q):
        return out_hbm.at[p >> 4, (p & 15) >> 3, pl.ds(q * QROWS, QROWS),
                          p & 7, :]

    def pair_step(k, _):
        p = p0 + k
        f = p >> 4
        cr = pltpu.async_copy(tab_hbm.at[f, p & 15], row_v, semr)

        @pl.when((k == 0) | ((p & 15) == 0))
        def _stage_idx():
            pltpu.async_copy(xt_hbm.at[f], idx_v, semi).wait()

        cr.wait()
        for q in range(4):
            buf = ov_bufs[q & 1]
            if q < 2:
                @pl.when(k > 0)
                def _drain():
                    pltpu.make_async_copy(buf, out_slice(p, q + 2),
                                          ov_sems[q & 1]).wait()
            else:
                pltpu.make_async_copy(buf, out_slice(p, q - 2),
                                      ov_sems[q & 1]).wait()

            def gat_step(i, _):
                for j in range(8):
                    sl = pl.ds(((q * QROWS + i) * 8 + j) * LANES, LANES)
                    val = plsc.load_gather(row_v, [idx_v[sl]])
                    buf[i, pl.ds(j * LANES, LANES)] = val
                return ()

            lax.fori_loop(0, QROWS, gat_step, ())
            pltpu.async_copy(buf, out_slice(p, q), ov_sems[q & 1])
        return ()

    lax.fori_loop(0, PAIRS_PER_WORKER, pair_step, ())
    for q in (2, 3):
        pltpu.make_async_copy(ov_bufs[q & 1],
                              out_slice(p0 + PAIRS_PER_WORKER - 1, q),
                              ov_sems[q & 1]).wait()


@functools.partial(jax.jit, static_argnames=())
def kernel(x, tables):
    xt = x.astype(jnp.int32).T
    tab_t = tables.transpose(0, 2, 1)

    mesh = plsc.VectorSubcoreMesh(core_axis_name="c", subcore_axis_name="s")
    out5 = pl.kernel(
        _body,
        out_type=jax.ShapeDtypeStruct(
            (N_FIELDS, 2, BATCH // 128, 8, 128), jnp.float32),
        mesh=mesh,
        scratch_types=[
            pltpu.VMEM((VOCAB,), jnp.float32),
            pltpu.VMEM((BATCH,), jnp.int32),
            pltpu.VMEM((BATCH // 128 // 4, 128), jnp.float32),
            pltpu.VMEM((BATCH // 128 // 4, 128), jnp.float32),
            pltpu.SemaphoreType.DMA,
            pltpu.SemaphoreType.DMA,
            pltpu.SemaphoreType.DMA,
            pltpu.SemaphoreType.DMA,
        ],
        compiler_params=pltpu.CompilerParams(use_tc_tiling_on_sc=True,
                                             needs_layout_passes=False),
    )(xt, tab_t)
    return out5.transpose(2, 4, 0, 1, 3).reshape(BATCH, N_FIELDS, EMBED_DIM)

# --- scband reference (transcript-rebuilt; emitter-appended) ---
"""Pipeline reference for scband-cat-encoder-84499186582176 (READ-ONLY COPY).

The authoritative reference and input builder live on the scoring server;
editing this copy changes nothing except your own understanding.
"""

import jax, jax.numpy as jnp
import numpy as np

N_FIELDS = 26
VOCAB = 100000
EMBED_DIM = 16
BATCH = 16384


def setup_inputs(seed: int = 0) -> dict:
    key = jax.random.key(seed)
    k_idx, k_tab = jax.random.split(key)
    x = jax.random.randint(k_idx, (BATCH, N_FIELDS), 0, VOCAB, dtype=jnp.int64 if jax.config.read('jax_enable_x64') else jnp.int32)
    # One embedding table per categorical column, stacked: [n_fields, vocab, embed_dim]
    tables = jax.random.normal(k_tab, (N_FIELDS, VOCAB, EMBED_DIM), dtype=jnp.float32) * 0.02
    return {"x": x, "tables": tables}


def reference(x, tables):
    # Faithful translation of CatEncoder.forward:
    #   x = [column_embedding(x[:, i], col) for i, col in enumerate(vocabulary)]
    #   x = torch.stack(x, dim=1)
    n_fields = tables.shape[0]
    cols = [jnp.take(tables[i], x[:, i], axis=0) for i in range(n_fields)]
    out = jnp.stack(cols, axis=1)  # [batch, n_fields, embed_dim]
    return out

if __name__ == "__main__":
    import jax
    _d = setup_inputs()
    print(jax.jit(kernel)(*tuple(_d.values())))

</pallas_src>

<mosaic_0001>
#map = affine_map<(d0, d1) -> (0, 0)>
#map1 = affine_map<(d0, d1) -> (0, 0, 0)>
#map2 = affine_map<(d0, d1) -> (0, 0, 0, 0, 0)>
module attributes {stable_mosaic.version = 14 : i64} {
  func.func @_body(%arg0: i32, %arg1: i32, %arg2: memref<26x16384xi32, #tpu.memory_space<hbm>>, %arg3: memref<26x16x100000xf32, #tpu.memory_space<hbm>>, %arg4: memref<26x2x128x8x128xf32, #tpu.memory_space<hbm>>, %arg5: memref<100000xf32, #tpu.memory_space<vmem>>, %arg6: memref<16384xi32, #tpu.memory_space<vmem>>, %arg7: memref<32x128xf32, #tpu.memory_space<vmem>>, %arg8: memref<32x128xf32, #tpu.memory_space<vmem>>, %arg9: memref<!tpu.dma_semaphore, #tpu.memory_space<semaphore_mem>>, %arg10: memref<!tpu.dma_semaphore, #tpu.memory_space<semaphore_mem>>, %arg11: memref<!tpu.dma_semaphore, #tpu.memory_space<semaphore_mem>>, %arg12: memref<!tpu.dma_semaphore, #tpu.memory_space<semaphore_mem>>) attributes {dimension_semantics = [#tpu.dimension_semantics<core_parallel>, #tpu.dimension_semantics<subcore_parallel>], iteration_bounds = array<i64: 2, 16>, scalar_prefetch = 0 : i64, scratch_operands = 8 : i64, tpu.core_type = #tpu.core_type<sc_vector_subcore>, window_params = [{transform_indices = #map}, {transform_indices = #map1}, {transform_indices = #map2}]} {
    %mul3A = arith.constant 2 : i32
    %mul3A_0 = arith.muli %arg1, %mul3A : i32
    %add3A = arith.addi %mul3A_0, %arg0 : i32
    %mul3A_1 = arith.constant 13 : i32
    %mul3A_2 = arith.muli %add3A, %mul3A_1 : i32
    %scan3A = arith.constant 0 : i32
    %scan3A_3 = arith.constant 13 : i32
    %scan3A_4 = arith.addi %scan3A, %scan3A_3 : i32
    %scan3A_5 = arith.constant 1 : i32
    scf.for %scan3A_43 = %scan3A to %scan3A_4 step %scan3A_5  : i32 {
      %add3A_44 = arith.addi %mul3A_2, %scan3A_43 : i32
      %shift_right_arithmetic3A_45 = arith.constant 4 : i32
      %shift_right_arithmetic3A_46 = arith.shrsi %add3A_44, %shift_right_arithmetic3A_45 : i32
      %and3A_47 = arith.constant 15 : i32
      %and3A_48 = arith.andi %add3A_44, %and3A_47 : i32
      %dma_start3A = arith.constant 0 : i32
      %dma_start3A_49 = tpu.memref_slice %arg3[%shift_right_arithmetic3A_46, %and3A_48, %dma_start3A] : memref<26x16x100000xf32, #tpu.memory_space<hbm>> -> memref<1x1x100000xf32, #tpu.memory_space<hbm>>
      %dma_start3A_50 = tpu.memref_squeeze %dma_start3A_49 : memref<1x1x100000xf32, #tpu.memory_space<hbm>> -> memref<100000xf32, #tpu.memory_space<hbm>>
      %dma_start3A_51 = arith.constant 0 : i32
      %dma_start3A_52 = tpu.memref_slice %arg3[%shift_right_arithmetic3A_46, %and3A_48, %dma_start3A_51] : memref<26x16x100000xf32, #tpu.memory_space<hbm>> -> memref<1x1x100000xf32, #tpu.memory_space<hbm>>
      %dma_start3A_53 = tpu.memref_squeeze %dma_start3A_52 : memref<1x1x100000xf32, #tpu.memory_space<hbm>> -> memref<100000xf32, #tpu.memory_space<hbm>>
      tpu.enqueue_dma source(%dma_start3A_53 : memref<100000xf32, #tpu.memory_space<hbm>>) target(%arg5 : memref<100000xf32, #tpu.memory_space<vmem>>) target_semaphore(%arg9 : memref<!tpu.dma_semaphore, #tpu.memory_space<semaphore_mem>>)
      %eq3A = arith.constant 0 : i32
      %eq3A_54 = arith.cmpi eq, %scan3A_43, %eq3A : i32
      %and3A_55 = arith.constant 15 : i32
      %and3A_56 = arith.andi %add3A_44, %and3A_55 : i32
      %eq3A_57 = arith.constant 0 : i32
      %eq3A_58 = arith.cmpi eq, %and3A_56, %eq3A_57 : i32
      %or3A = arith.ori %eq3A_54, %eq3A_58 : i1
      %convert_element_type3A = arith.extui %or3A : i1 to i32
      %cond3A = arith.constant 0 : i32
      %cond3A_59 = arith.cmpi ne, %convert_element_type3A, %cond3A : i32
      scf.if %cond3A_59 {
        %dma_start3A_191 = arith.constant 0 : i32
        %dma_start3A_192 = tpu.memref_slice %arg2[%shift_right_arithmetic3A_46, %dma_start3A_191] : memref<26x16384xi32, #tpu.memory_space<hbm>> -> memref<1x16384xi32, #tpu.memory_space<hbm>>
        %dma_start3A_193 = tpu.memref_squeeze %dma_start3A_192 : memref<1x16384xi32, #tpu.memory_space<hbm>> -> memref<16384xi32, #tpu.memory_space<hbm>>
        %dma_start3A_194 = arith.constant 0 : i32
        %dma_start3A_195 = tpu.memref_slice %arg2[%shift_right_arithmetic3A_46, %dma_start3A_194] : memref<26x16384xi32, #tpu.memory_space<hbm>> -> memref<1x16384xi32, #tpu.memory_space<hbm>>
        %dma_start3A_196 = tpu.memref_squeeze %dma_start3A_195 : memref<1x16384xi32, #tpu.memory_space<hbm>> -> memref<16384xi32, #tpu.memory_space<hbm>>
        tpu.enqueue_dma source(%dma_start3A_196 : memref<16384xi32, #tpu.memory_space<hbm>>) target(%arg6 : memref<16384xi32, #tpu.memory_space<vmem>>) target_semaphore(%arg10 : memref<!tpu.dma_semaphore, #tpu.memory_space<semaphore_mem>>)
        %dma_wait3A_197 = arith.constant 0 : i32
        %dma_wait3A_198 = tpu.memref_slice %arg2[%shift_right_arithmetic3A_46, %dma_wait3A_197] : memref<26x16384xi32, #tpu.memory_space<hbm>> -> memref<1x16384xi32, #tpu.memory_space<hbm>>
        %dma_wait3A_199 = tpu.memref_squeeze %dma_wait3A_198 : memref<1x16384xi32, #tpu.memory_space<hbm>> -> memref<16384xi32, #tpu.memory_space<hbm>>
        %dma_wait3A_200 = arith.constant 0 : i32
        %dma_wait3A_201 = tpu.memref_slice %arg2[%shift_right_arithmetic3A_46, %dma_wait3A_200] : memref<26x16384xi32, #tpu.memory_space<hbm>> -> memref<1x16384xi32, #tpu.memory_space<hbm>>
        %dma_wait3A_202 = tpu.memref_squeeze %dma_wait3A_201 : memref<1x16384xi32, #tpu.memory_space<hbm>> -> memref<16384xi32, #tpu.memory_space<hbm>>
        tpu.wait_dma2 semaphore(%arg10 : memref<!tpu.dma_semaphore, #tpu.memory_space<semaphore_mem>>) src(%dma_wait3A_202 : memref<16384xi32, #tpu.memory_space<hbm>>) dst(%arg6 : memref<16384xi32, #tpu.memory_space<vmem>>)
      } else {
      }
      %dma_wait3A_60 = arith.constant 0 : i32
      %dma_wait3A_61 = tpu.memref_slice %arg3[%shift_right_arithmetic3A_46, %and3A_48, %dma_wait3A_60] : memref<26x16x100000xf32, #tpu.memory_space<hbm>> -> memref<1x1x100000xf32, #tpu.memory_space<hbm>>
      %dma_wait3A_62 = tpu.memref_squeeze %dma_wait3A_61 : memref<1x1x100000xf32, #tpu.memory_space<hbm>> -> memref<100000xf32, #tpu.memory_space<hbm>>
      %dma_wait3A_63 = arith.constant 0 : i32
      %dma_wait3A_64 = tpu.memref_slice %arg3[%shift_right_arithmetic3A_46, %and3A_48, %dma_wait3A_63] : memref<26x16x100000xf32, #tpu.memory_space<hbm>> -> memref<1x1x100000xf32, #tpu.memory_space<hbm>>
      %dma_wait3A_65 = tpu.memref_squeeze %dma_wait3A_64 : memref<1x1x100000xf32, #tpu.memory_space<hbm>> -> memref<100000xf32, #tpu.memory_space<hbm>>
      tpu.wait_dma2 semaphore(%arg9 : memref<!tpu.dma_semaphore, #tpu.memory_space<semaphore_mem>>) src(%dma_wait3A_65 : memref<100000xf32, #tpu.memory_space<hbm>>) dst(%arg5 : memref<100000xf32, #tpu.memory_space<vmem>>)
      %gt3A = arith.constant 0 : i32
      %gt3A_66 = arith.cmpi sgt, %scan3A_43, %gt3A : i32
      %convert_element_type3A_67 = arith.extui %gt3A_66 : i1 to i32
      %cond3A_68 = arith.constant 0 : i32
      %cond3A_69 = arith.cmpi ne, %convert_element_type3A_67, %cond3A_68 : i32
      scf.if %cond3A_69 {
        %shift_right_arithmetic3A_191 = arith.constant 4 : i32
        %shift_right_arithmetic3A_192 = arith.shrsi %add3A_44, %shift_right_arithmetic3A_191 : i32
        %and3A_193 = arith.constant 15 : i32
        %and3A_194 = arith.andi %add3A_44, %and3A_193 : i32
        %shift_right_arithmetic3A_195 = arith.constant 3 : i32
        %shift_right_arithmetic3A_196 = arith.shrsi %and3A_194, %shift_right_arithmetic3A_195 : i32
        %and3A_197 = arith.constant 7 : i32
        %and3A_198 = arith.andi %add3A_44, %and3A_197 : i32
        %dma_wait3A_199 = arith.constant 64 : i32
        %dma_wait3A_200 = arith.constant 0 : i32
        %dma_wait3A_201 = tpu.memref_slice %arg4[%shift_right_arithmetic3A_192, %shift_right_arithmetic3A_196, %dma_wait3A_199, %and3A_198, %dma_wait3A_200] : memref<26x2x128x8x128xf32, #tpu.memory_space<hbm>> -> memref<1x1x32x1x128xf32, #tpu.memory_space<hbm>>
        %dma_wait3A_202 = tpu.memref_squeeze %dma_wait3A_201 : memref<1x1x32x1x128xf32, #tpu.memory_space<hbm>> -> memref<32x128xf32, #tpu.memory_space<hbm>>
        %dma_wait3A_203 = arith.constant 64 : i32
        %dma_wait3A_204 = arith.constant 0 : i32
        %dma_wait3A_205 = tpu.memref_slice %arg4[%shift_right_arithmetic3A_192, %shift_right_arithmetic3A_196, %dma_wait3A_203, %and3A_198, %dma_wait3A_204] : memref<26x2x128x8x128xf32, #tpu.memory_space<hbm>> -> memref<1x1x32x1x128xf32, #tpu.memory_space<hbm>>
        %dma_wait3A_206 = tpu.memref_squeeze %dma_wait3A_205 : memref<1x1x32x1x128xf32, #tpu.memory_space<hbm>> -> memref<32x128xf32, #tpu.memory_space<hbm>>
        tpu.wait_dma2 semaphore(%arg11 : memref<!tpu.dma_semaphore, #tpu.memory_space<semaphore_mem>>) src(%arg7 : memref<32x128xf32, #tpu.memory_space<vmem>>) dst(%dma_wait3A_206 : memref<32x128xf32, #tpu.memory_space<hbm>>)
      } else {
      }
      %scan3A_70 = arith.constant 0 : i32
      %scan3A_71 = arith.constant 32 : i32
      %scan3A_72 = arith.addi %scan3A_70, %scan3A_71 : i32
      %scan3A_73 = arith.constant 1 : i32
      scf.for %scan3A_191 = %scan3A_70 to %scan3A_72 step %scan3A_73  : i32 {
        %add3A_192 = arith.constant 0 : i32
        %add3A_193 = arith.addi %add3A_192, %scan3A_191 : i32
        %mul3A_194 = arith.constant 8 : i32
        %mul3A_195 = arith.muli %add3A_193, %mul3A_194 : i32
        %add3A_196 = arith.constant 0 : i32
        %add3A_197 = arith.addi %mul3A_195, %add3A_196 : i32
        %mul3A_198 = arith.constant 16 : i32
        %mul3A_199 = arith.muli %add3A_197, %mul3A_198 : i32
        %get3A = arith.index_cast %mul3A_199 : i32 to index
        %get3A_200 = tpu.vector_load %arg6[%get3A] {strides = array<i32>} : memref<16384xi32, #tpu.memory_space<vmem>>, vector<16xi32>,
        %gather3A = tpu.vector_load_idx %arg5[%get3A_200] : memref<100000xf32, #tpu.memory_space<vmem>>[vector<16xi32>], vector<16xf32>,
        %swap3A = arith.index_cast %scan3A_191 : i32 to index
        %swap3A_201 = arith.constant 0 : index
        %swap3A_202 = tpu.vector_load %arg7[%swap3A, %swap3A_201] {strides = array<i32>} : memref<32x128xf32, #tpu.memory_space<vmem>>, vector<16xf32>,
        tpu.vector_store %arg7[%swap3A, %swap3A_201], %gather3A {strides = array<i32>} : memref<32x128xf32, #tpu.memory_space<vmem>>, vector<16xf32>,
        %add3A_203 = arith.constant 0 : i32
        %add3A_204 = arith.addi %add3A_203, %scan3A_191 : i32
        %mul3A_205 = arith.constant 8 : i32
        %mul3A_206 = arith.muli %add3A_204, %mul3A_205 : i32
        %add3A_207 = arith.constant 1 : i32
        %add3A_208 = arith.addi %mul3A_206, %add3A_207 : i32
        %mul3A_209 = arith.constant 16 : i32
        %mul3A_210 = arith.muli %add3A_208, %mul3A_209 : i32
        %get3A_211 = arith.index_cast %mul3A_210 : i32 to index
        %get3A_212 = tpu.vector_load %arg6[%get3A_211] {strides = array<i32>} : memref<16384xi32, #tpu.memory_space<vmem>>, vector<16xi32>,
        %gather3A_213 = tpu.vector_load_idx %arg5[%get3A_212] : memref<100000xf32, #tpu.memory_space<vmem>>[vector<16xi32>], vector<16xf32>,
        %swap3A_214 = arith.index_cast %scan3A_191 : i32 to index
        %swap3A_215 = arith.constant 16 : index
        %swap3A_216 = tpu.vector_load %arg7[%swap3A_214, %swap3A_215] {strides = array<i32>} : memref<32x128xf32, #tpu.memory_space<vmem>>, vector<16xf32>,
        tpu.vector_store %arg7[%swap3A_214, %swap3A_215], %gather3A_213 {strides = array<i32>} : memref<32x128xf32, #tpu.memory_space<vmem>>, vector<16xf32>,
        %add3A_217 = arith.constant 0 : i32
        %add3A_218 = arith.addi %add3A_217, %scan3A_191 : i32
        %mul3A_219 = arith.constant 8 : i32
        %mul3A_220 = arith.muli %add3A_218, %mul3A_219 : i32
        %add3A_221 = arith.constant 2 : i32
        %add3A_222 = arith.addi %mul3A_220, %add3A_221 : i32
        %mul3A_223 = arith.constant 16 : i32
        %mul3A_224 = arith.muli %add3A_222, %mul3A_223 : i32
        %get3A_225 = arith.index_cast %mul3A_224 : i32 to index
        %get3A_226 = tpu.vector_load %arg6[%get3A_225] {strides = array<i32>} : memref<16384xi32, #tpu.memory_space<vmem>>, vector<16xi32>,
        %gather3A_227 = tpu.vector_load_idx %arg5[%get3A_226] : memref<100000xf32, #tpu.memory_space<vmem>>[vector<16xi32>], vector<16xf32>,
        %swap3A_228 = arith.index_cast %scan3A_191 : i32 to index
        %swap3A_229 = arith.constant 32 : index
        %swap3A_230 = tpu.vector_load %arg7[%swap3A_228, %swap3A_229] {strides = array<i32>} : memref<32x128xf32, #tpu.memory_space<vmem>>, vector<16xf32>,
        tpu.vector_store %arg7[%swap3A_228, %swap3A_229], %gather3A_227 {strides = array<i32>} : memref<32x128xf32, #tpu.memory_space<vmem>>, vector<16xf32>,
        %add3A_231 = arith.constant 0 : i32
        %add3A_232 = arith.addi %add3A_231, %scan3A_191 : i32
        %mul3A_233 = arith.constant 8 : i32
        %mul3A_234 = arith.muli %add3A_232, %mul3A_233 : i32
        %add3A_235 = arith.constant 3 : i32
        %add3A_236 = arith.addi %mul3A_234, %add3A_235 : i32
        %mul3A_237 = arith.constant 16 : i32
        %mul3A_238 = arith.muli %add3A_236, %mul3A_237 : i32
        %get3A_239 = arith.index_cast %mul3A_238 : i32 to index
        %get3A_240 = tpu.vector_load %arg6[%get3A_239] {strides = array<i32>} : memref<16384xi32, #tpu.memory_space<vmem>>, vector<16xi32>,
        %gather3A_241 = tpu.vector_load_idx %arg5[%get3A_240] : memref<100000xf32, #tpu.memory_space<vmem>>[vector<16xi32>], vector<16xf32>,
        %swap3A_242 = arith.index_cast %scan3A_191 : i32 to index
        %swap3A_243 = arith.constant 48 : index
        %swap3A_244 = tpu.vector_load %arg7[%swap3A_242, %swap3A_243] {strides = array<i32>} : memref<32x128xf32, #tpu.memory_space<vmem>>, vector<16xf32>,
        tpu.vector_store %arg7[%swap3A_242, %swap3A_243], %gather3A_241 {strides = array<i32>} : memref<32x128xf32, #tpu.memory_space<vmem>>, vector<16xf32>,
        %add3A_245 = arith.constant 0 : i32
        %add3A_246 = arith.addi %add3A_245, %scan3A_191 : i32
        %mul3A_247 = arith.constant 8 : i32
        %mul3A_248 = arith.muli %add3A_246, %mul3A_247 : i32
        %add3A_249 = arith.constant 4 : i32
        %add3A_250 = arith.addi %mul3A_248, %add3A_249 : i32
        %mul3A_251 = arith.constant 16 : i32
        %mul3A_252 = arith.muli %add3A_250, %mul3A_251 : i32
        %get3A_253 = arith.index_cast %mul3A_252 : i32 to index
        %get3A_254 = tpu.vector_load %arg6[%get3A_253] {strides = array<i32>} : memref<16384xi32, #tpu.memory_space<vmem>>, vector<16xi32>,
        %gather3A_255 = tpu.vector_load_idx %arg5[%get3A_254] : memref<100000xf32, #tpu.memory_space<vmem>>[vector<16xi32>], vector<16xf32>,
        %swap3A_256 = arith.index_cast %scan3A_191 : i32 to index
        %swap3A_257 = arith.constant 64 : index
        %swap3A_258 = tpu.vector_load %arg7[%swap3A_256, %swap3A_257] {strides = array<i32>} : memref<32x128xf32, #tpu.memory_space<vmem>>, vector<16xf32>,
        tpu.vector_store %arg7[%swap3A_256, %swap3A_257], %gather3A_255 {strides = array<i32>} : memref<32x128xf32, #tpu.memory_space<vmem>>, vector<16xf32>,
        %add3A_259 = arith.constant 0 : i32
        %add3A_260 = arith.addi %add3A_259, %scan3A_191 : i32
        %mul3A_261 = arith.constant 8 : i32
        %mul3A_262 = arith.muli %add3A_260, %mul3A_261 : i32
        %add3A_263 = arith.constant 5 : i32
        %add3A_264 = arith.addi %mul3A_262, %add3A_263 : i32
        %mul3A_265 = arith.constant 16 : i32
        %mul3A_266 = arith.muli %add3A_264, %mul3A_265 : i32
        %get3A_267 = arith.index_cast %mul3A_266 : i32 to index
        %get3A_268 = tpu.vector_load %arg6[%get3A_267] {strides = array<i32>} : memref<16384xi32, #tpu.memory_space<vmem>>, vector<16xi32>,
        %gather3A_269 = tpu.vector_load_idx %arg5[%get3A_268] : memref<100000xf32, #tpu.memory_space<vmem>>[vector<16xi32>], vector<16xf32>,
        %swap3A_270 = arith.index_cast %scan3A_191 : i32 to index
        %swap3A_271 = arith.constant 80 : index
        %swap3A_272 = tpu.vector_load %arg7[%swap3A_270, %swap3A_271] {strides = array<i32>} : memref<32x128xf32, #tpu.memory_space<vmem>>, vector<16xf32>,
        tpu.vector_store %arg7[%swap3A_270, %swap3A_271], %gather3A_269 {strides = array<i32>} : memref<32x128xf32, #tpu.memory_space<vmem>>, vector<16xf32>,
        %add3A_273 = arith.constant 0 : i32
        %add3A_274 = arith.addi %add3A_273, %scan3A_191 : i32
        %mul3A_275 = arith.constant 8 : i32
        %mul3A_276 = arith.muli %add3A_274, %mul3A_275 : i32
        %add3A_277 = arith.constant 6 : i32
        %add3A_278 = arith.addi %mul3A_276, %add3A_277 : i32
        %mul3A_279 = arith.constant 16 : i32
        %mul3A_280 = arith.muli %add3A_278, %mul3A_279 : i32
        %get3A_281 = arith.index_cast %mul3A_280 : i32 to index
        %get3A_282 = tpu.vector_load %arg6[%get3A_281] {strides = array<i32>} : memref<16384xi32, #tpu.memory_space<vmem>>, vector<16xi32>,
        %gather3A_283 = tpu.vector_load_idx %arg5[%get3A_282] : memref<100000xf32, #tpu.memory_space<vmem>>[vector<16xi32>], vector<16xf32>,
        %swap3A_284 = arith.index_cast %scan3A_191 : i32 to index
        %swap3A_285 = arith.constant 96 : index
        %swap3A_286 = tpu.vector_load %arg7[%swap3A_284, %swap3A_285] {strides = array<i32>} : memref<32x128xf32, #tpu.memory_space<vmem>>, vector<16xf32>,
        tpu.vector_store %arg7[%swap3A_284, %swap3A_285], %gather3A_283 {strides = array<i32>} : memref<32x128xf32, #tpu.memory_space<vmem>>, vector<16xf32>,
        %add3A_287 = arith.constant 0 : i32
        %add3A_288 = arith.addi %add3A_287, %scan3A_191 : i32
        %mul3A_289 = arith.constant 8 : i32
        %mul3A_290 = arith.muli %add3A_288, %mul3A_289 : i32
        %add3A_291 = arith.constant 7 : i32
        %add3A_292 = arith.addi %mul3A_290, %add3A_291 : i32
        %mul3A_293 = arith.constant 16 : i32
        %mul3A_294 = arith.muli %add3A_292, %mul3A_293 : i32
        %get3A_295 = arith.index_cast %mul3A_294 : i32 to index
        %get3A_296 = tpu.vector_load %arg6[%get3A_295] {strides = array<i32>} : memref<16384xi32, #tpu.memory_space<vmem>>, vector<16xi32>,
        %gather3A_297 = tpu.vector_load_idx %arg5[%get3A_296] : memref<100000xf32, #tpu.memory_space<vmem>>[vector<16xi32>], vector<16xf32>,
        %swap3A_298 = arith.index_cast %scan3A_191 : i32 to index
        %swap3A_299 = arith.constant 112 : index
        %swap3A_300 = tpu.vector_load %arg7[%swap3A_298, %swap3A_299] {strides = array<i32>} : memref<32x128xf32, #tpu.memory_space<vmem>>, vector<16xf32>,
        tpu.vector_store %arg7[%swap3A_298, %swap3A_299], %gather3A_297 {strides = array<i32>} : memref<32x128xf32, #tpu.memory_space<vmem>>, vector<16xf32>,
      }
      %scan3A_74 = arith.constant 32 : i32
      %shift_right_arithmetic3A_75 = arith.constant 4 : i32
      %shift_right_arithmetic3A_76 = arith.shrsi %add3A_44, %shift_right_arithmetic3A_75 : i32
      %and3A_77 = arith.constant 15 : i32
      %and3A_78 = arith.andi %add3A_44, %and3A_77 : i32
      %shift_right_arithmetic3A_79 = arith.constant 3 : i32
      %shift_right_arithmetic3A_80 = arith.shrsi %and3A_78, %shift_right_arithmetic3A_79 : i32
      %and3A_81 = arith.constant 7 : i32
      %and3A_82 = arith.andi %add3A_44, %and3A_81 : i32
      %dma_start3A_83 = arith.constant 0 : i32
      %dma_start3A_84 = arith.constant 0 : i32
      %dma_start3A_85 = tpu.memref_slice %arg4[%shift_right_arithmetic3A_76, %shift_right_arithmetic3A_80, %dma_start3A_83, %and3A_82, %dma_start3A_84] : memref<26x2x128x8x128xf32, #tpu.memory_space<hbm>> -> memref<1x1x32x1x128xf32, #tpu.memory_space<hbm>>
      %dma_start3A_86 = tpu.memref_squeeze %dma_start3A_85 : memref<1x1x32x1x128xf32, #tpu.memory_space<hbm>> -> memref<32x128xf32, #tpu.memory_space<hbm>>
      %dma_start3A_87 = arith.constant 0 : i32
      %dma_start3A_88 = arith.constant 0 : i32
      %dma_start3A_89 = tpu.memref_slice %arg4[%shift_right_arithmetic3A_76, %shift_right_arithmetic3A_80, %dma_start3A_87, %and3A_82, %dma_start3A_88] : memref<26x2x128x8x128xf32, #tpu.memory_space<hbm>> -> memref<1x1x32x1x128xf32, #tpu.memory_space<hbm>>
      %dma_start3A_90 = tpu.memref_squeeze %dma_start3A_89 : memref<1x1x32x1x128xf32, #tpu.memory_space<hbm>> -> memref<32x128xf32, #tpu.memory_space<hbm>>
      tpu.enqueue_dma source(%arg7 : memref<32x128xf32, #tpu.memory_space<vmem>>) target(%dma_start3A_90 : memref<32x128xf32, #tpu.memory_space<hbm>>) target_semaphore(%arg11 : memref<!tpu.dma_semaphore, #tpu.memory_space<semaphore_mem>>)
      %gt3A_91 = arith.constant 0 : i32
      %gt3A_92 = arith.cmpi sgt, %scan3A_43, %gt3A_91 : i32
      %convert_element_type3A_93 = arith.extui %gt3A_92 : i1 to i32
      %cond3A_94 = arith.constant 0 : i32
      %cond3A_95 = arith.cmpi ne, %convert_element_type3A_93, %cond3A_94 : i32
      scf.if %cond3A_95 {
        %shift_right_arithmetic3A_191 = arith.constant 4 : i32
        %shift_right_arithmetic3A_192 = arith.shrsi %add3A_44, %shift_right_arithmetic3A_191 : i32
        %and3A_193 = arith.constant 15 : i32
        %and3A_194 = arith.andi %add3A_44, %and3A_193 : i32
        %shift_right_arithmetic3A_195 = arith.constant 3 : i32
        %shift_right_arithmetic3A_196 = arith.shrsi %and3A_194, %shift_right_arithmetic3A_195 : i32
        %and3A_197 = arith.constant 7 : i32
        %and3A_198 = arith.andi %add3A_44, %and3A_197 : i32
        %dma_wait3A_199 = arith.constant 96 : i32
        %dma_wait3A_200 = arith.constant 0 : i32
        %dma_wait3A_201 = tpu.memref_slice %arg4[%shift_right_arithmetic3A_192, %shift_right_arithmetic3A_196, %dma_wait3A_199, %and3A_198, %dma_wait3A_200] : memref<26x2x128x8x128xf32, #tpu.memory_space<hbm>> -> memref<1x1x32x1x128xf32, #tpu.memory_space<hbm>>
        %dma_wait3A_202 = tpu.memref_squeeze %dma_wait3A_201 : memref<1x1x32x1x128xf32, #tpu.memory_space<hbm>> -> memref<32x128xf32, #tpu.memory_space<hbm>>
        %dma_wait3A_203 = arith.constant 96 : i32
        %dma_wait3A_204 = arith.constant 0 : i32
        %dma_wait3A_205 = tpu.memref_slice %arg4[%shift_right_arithmetic3A_192, %shift_right_arithmetic3A_196, %dma_wait3A_203, %and3A_198, %dma_wait3A_204] : memref<26x2x128x8x128xf32, #tpu.memory_space<hbm>> -> memref<1x1x32x1x128xf32, #tpu.memory_space<hbm>>
        %dma_wait3A_206 = tpu.memref_squeeze %dma_wait3A_205 : memref<1x1x32x1x128xf32, #tpu.memory_space<hbm>> -> memref<32x128xf32, #tpu.memory_space<hbm>>
        tpu.wait_dma2 semaphore(%arg12 : memref<!tpu.dma_semaphore, #tpu.memory_space<semaphore_mem>>) src(%arg8 : memref<32x128xf32, #tpu.memory_space<vmem>>) dst(%dma_wait3A_206 : memref<32x128xf32, #tpu.memory_space<hbm>>)
      } else {
      }
      %scan3A_96 = arith.constant 0 : i32
      %scan3A_97 = arith.constant 32 : i32
      %scan3A_98 = arith.addi %scan3A_96, %scan3A_97 : i32
      %scan3A_99 = arith.constant 1 : i32
      scf.for %scan3A_191 = %scan3A_96 to %scan3A_98 step %scan3A_99  : i32 {
        %add3A_192 = arith.constant 32 : i32
        %add3A_193 = arith.addi %add3A_192, %scan3A_191 : i32
        %mul3A_194 = arith.constant 8 : i32
        %mul3A_195 = arith.muli %add3A_193, %mul3A_194 : i32
        %add3A_196 = arith.constant 0 : i32
        %add3A_197 = arith.addi %mul3A_195, %add3A_196 : i32
        %mul3A_198 = arith.constant 16 : i32
        %mul3A_199 = arith.muli %add3A_197, %mul3A_198 : i32
        %get3A = arith.index_cast %mul3A_199 : i32 to index
        %get3A_200 = tpu.vector_load %arg6[%get3A] {strides = array<i32>} : memref<16384xi32, #tpu.memory_space<vmem>>, vector<16xi32>,
        %gather3A = tpu.vector_load_idx %arg5[%get3A_200] : memref<100000xf32, #tpu.memory_space<vmem>>[vector<16xi32>], vector<16xf32>,
        %swap3A = arith.index_cast %scan3A_191 : i32 to index
        %swap3A_201 = arith.constant 0 : index
        %swap3A_202 = tpu.vector_load %arg8[%swap3A, %swap3A_201] {strides = array<i32>} : memref<32x128xf32, #tpu.memory_space<vmem>>, vector<16xf32>,
        tpu.vector_store %arg8[%swap3A, %swap3A_201], %gather3A {strides = array<i32>} : memref<32x128xf32, #tpu.memory_space<vmem>>, vector<16xf32>,
        %add3A_203 = arith.constant 32 : i32
        %add3A_204 = arith.addi %add3A_203, %scan3A_191 : i32
        %mul3A_205 = arith.constant 8 : i32
        %mul3A_206 = arith.muli %add3A_204, %mul3A_205 : i32
        %add3A_207 = arith.constant 1 : i32
        %add3A_208 = arith.addi %mul3A_206, %add3A_207 : i32
        %mul3A_209 = arith.constant 16 : i32
        %mul3A_210 = arith.muli %add3A_208, %mul3A_209 : i32
        %get3A_211 = arith.index_cast %mul3A_210 : i32 to index
        %get3A_212 = tpu.vector_load %arg6[%get3A_211] {strides = array<i32>} : memref<16384xi32, #tpu.memory_space<vmem>>, vector<16xi32>,
        %gather3A_213 = tpu.vector_load_idx %arg5[%get3A_212] : memref<100000xf32, #tpu.memory_space<vmem>>[vector<16xi32>], vector<16xf32>,
        %swap3A_214 = arith.index_cast %scan3A_191 : i32 to index
        %swap3A_215 = arith.constant 16 : index
        %swap3A_216 = tpu.vector_load %arg8[%swap3A_214, %swap3A_215] {strides = array<i32>} : memref<32x128xf32, #tpu.memory_space<vmem>>, vector<16xf32>,
        tpu.vector_store %arg8[%swap3A_214, %swap3A_215], %gather3A_213 {strides = array<i32>} : memref<32x128xf32, #tpu.memory_space<vmem>>, vector<16xf32>,
        %add3A_217 = arith.constant 32 : i32
        %add3A_218 = arith.addi %add3A_217, %scan3A_191 : i32
        %mul3A_219 = arith.constant 8 : i32
        %mul3A_220 = arith.muli %add3A_218, %mul3A_219 : i32
        %add3A_221 = arith.constant 2 : i32
        %add3A_222 = arith.addi %mul3A_220, %add3A_221 : i32
        %mul3A_223 = arith.constant 16 : i32
        %mul3A_224 = arith.muli %add3A_222, %mul3A_223 : i32
        %get3A_225 = arith.index_cast %mul3A_224 : i32 to index
        %get3A_226 = tpu.vector_load %arg6[%get3A_225] {strides = array<i32>} : memref<16384xi32, #tpu.memory_space<vmem>>, vector<16xi32>,
        %gather3A_227 = tpu.vector_load_idx %arg5[%get3A_226] : memref<100000xf32, #tpu.memory_space<vmem>>[vector<16xi32>], vector<16xf32>,
        %swap3A_228 = arith.index_cast %scan3A_191 : i32 to index
        %swap3A_229 = arith.constant 32 : index
        %swap3A_230 = tpu.vector_load %arg8[%swap3A_228, %swap3A_229] {strides = array<i32>} : memref<32x128xf32, #tpu.memory_space<vmem>>, vector<16xf32>,
        tpu.vector_store %arg8[%swap3A_228, %swap3A_229], %gather3A_227 {strides = array<i32>} : memref<32x128xf32, #tpu.memory_space<vmem>>, vector<16xf32>,
        %add3A_231 = arith.constant 32 : i32
        %add3A_232 = arith.addi %add3A_231, %scan3A_191 : i32
        %mul3A_233 = arith.constant 8 : i32
        %mul3A_234 = arith.muli %add3A_232, %mul3A_233 : i32
        %add3A_235 = arith.constant 3 : i32
        %add3A_236 = arith.addi %mul3A_234, %add3A_235 : i32
        %mul3A_237 = arith.constant 16 : i32
        %mul3A_238 = arith.muli %add3A_236, %mul3A_237 : i32
        %get3A_239 = arith.index_cast %mul3A_238 : i32 to index
        %get3A_240 = tpu.vector_load %arg6[%get3A_239] {strides = array<i32>} : memref<16384xi32, #tpu.memory_space<vmem>>, vector<16xi32>,
        %gather3A_241 = tpu.vector_load_idx %arg5[%get3A_240] : memref<100000xf32, #tpu.memory_space<vmem>>[vector<16xi32>], vector<16xf32>,
        %swap3A_242 = arith.index_cast %scan3A_191 : i32 to index
        %swap3A_243 = arith.constant 48 : index
        %swap3A_244 = tpu.vector_load %arg8[%swap3A_242, %swap3A_243] {strides = array<i32>} : memref<32x128xf32, #tpu.memory_space<vmem>>, vector<16xf32>,
        tpu.vector_store %arg8[%swap3A_242, %swap3A_243], %gather3A_241 {strides = array<i32>} : memref<32x128xf32, #tpu.memory_space<vmem>>, vector<16xf32>,
        %add3A_245 = arith.constant 32 : i32
        %add3A_246 = arith.addi %add3A_245, %scan3A_191 : i32
        %mul3A_247 = arith.constant 8 : i32
        %mul3A_248 = arith.muli %add3A_246, %mul3A_247 : i32
        %add3A_249 = arith.constant 4 : i32
        %add3A_250 = arith.addi %mul3A_248, %add3A_249 : i32
        %mul3A_251 = arith.constant 16 : i32
        %mul3A_252 = arith.muli %add3A_250, %mul3A_251 : i32
        %get3A_253 = arith.index_cast %mul3A_252 : i32 to index
        %get3A_254 = tpu.vector_load %arg6[%get3A_253] {strides = array<i32>} : memref<16384xi32, #tpu.memory_space<vmem>>, vector<16xi32>,
        %gather3A_255 = tpu.vector_load_idx %arg5[%get3A_254] : memref<100000xf32, #tpu.memory_space<vmem>>[vector<16xi32>], vector<16xf32>,
        %swap3A_256 = arith.index_cast %scan3A_191 : i32 to index
        %swap3A_257 = arith.constant 64 : index
        %swap3A_258 = tpu.vector_load %arg8[%swap3A_256, %swap3A_257] {strides = array<i32>} : memref<32x128xf32, #tpu.memory_space<vmem>>, vector<16xf32>,
        tpu.vector_store %arg8[%swap3A_256, %swap3A_257], %gather3A_255 {strides = array<i32>} : memref<32x128xf32, #tpu.memory_space<vmem>>, vector<16xf32>,
        %add3A_259 = arith.constant 32 : i32
        %add3A_260 = arith.addi %add3A_259, %scan3A_191 : i32
        %mul3A_261 = arith.constant 8 : i32
        %mul3A_262 = arith.muli %add3A_260, %mul3A_261 : i32
        %add3A_263 = arith.constant 5 : i32
        %add3A_264 = arith.addi %mul3A_262, %add3A_263 : i32
        %mul3A_265 = arith.constant 16 : i32
        %mul3A_266 = arith.muli %add3A_264, %mul3A_265 : i32
        %get3A_267 = arith.index_cast %mul3A_266 : i32 to index
        %get3A_268 = tpu.vector_load %arg6[%get3A_267] {strides = array<i32>} : memref<16384xi32, #tpu.memory_space<vmem>>, vector<16xi32>,
        %gather3A_269 = tpu.vector_load_idx %arg5[%get3A_268] : memref<100000xf32, #tpu.memory_space<vmem>>[vector<16xi32>], vector<16xf32>,
        %swap3A_270 = arith.index_cast %scan3A_191 : i32 to index
        %swap3A_271 = arith.constant 80 : index
        %swap3A_272 = tpu.vector_load %arg8[%swap3A_270, %swap3A_271] {strides = array<i32>} : memref<32x128xf32, #tpu.memory_space<vmem>>, vector<16xf32>,
        tpu.vector_store %arg8[%swap3A_270, %swap3A_271], %gather3A_269 {strides = array<i32>} : memref<32x128xf32, #tpu.memory_space<vmem>>, vector<16xf32>,
        %add3A_273 = arith.constant 32 : i32
        %add3A_274 = arith.addi %add3A_273, %scan3A_191 : i32
        %mul3A_275 = arith.constant 8 : i32
        %mul3A_276 = arith.muli %add3A_274, %mul3A_275 : i32
        %add3A_277 = arith.constant 6 : i32
        %add3A_278 = arith.addi %mul3A_276, %add3A_277 : i32
        %mul3A_279 = arith.constant 16 : i32
        %mul3A_280 = arith.muli %add3A_278, %mul3A_279 : i32
        %get3A_281 = arith.index_cast %mul3A_280 : i32 to index
        %get3A_282 = tpu.vector_load %arg6[%get3A_281] {strides = array<i32>} : memref<16384xi32, #tpu.memory_space<vmem>>, vector<16xi32>,
        %gather3A_283 = tpu.vector_load_idx %arg5[%get3A_282] : memref<100000xf32, #tpu.memory_space<vmem>>[vector<16xi32>], vector<16xf32>,
        %swap3A_284 = arith.index_cast %scan3A_191 : i32 to index
        %swap3A_285 = arith.constant 96 : index
        %swap3A_286 = tpu.vector_load %arg8[%swap3A_284, %swap3A_285] {strides = array<i32>} : memref<32x128xf32, #tpu.memory_space<vmem>>, vector<16xf32>,
        tpu.vector_store %arg8[%swap3A_284, %swap3A_285], %gather3A_283 {strides = array<i32>} : memref<32x128xf32, #tpu.memory_space<vmem>>, vector<16xf32>,
        %add3A_287 = arith.constant 32 : i32
        %add3A_288 = arith.addi %add3A_287, %scan3A_191 : i32
        %mul3A_289 = arith.constant 8 : i32
        %mul3A_290 = arith.muli %add3A_288, %mul3A_289 : i32
        %add3A_291 = arith.constant 7 : i32
        %add3A_292 = arith.addi %mul3A_290, %add3A_291 : i32
        %mul3A_293 = arith.constant 16 : i32
        %mul3A_294 = arith.muli %add3A_292, %mul3A_293 : i32
        %get3A_295 = arith.index_cast %mul3A_294 : i32 to index
        %get3A_296 = tpu.vector_load %arg6[%get3A_295] {strides = array<i32>} : memref<16384xi32, #tpu.memory_space<vmem>>, vector<16xi32>,
        %gather3A_297 = tpu.vector_load_idx %arg5[%get3A_296] : memref<100000xf32, #tpu.memory_space<vmem>>[vector<16xi32>], vector<16xf32>,
        %swap3A_298 = arith.index_cast %scan3A_191 : i32 to index
        %swap3A_299 = arith.constant 112 : index
        %swap3A_300 = tpu.vector_load %arg8[%swap3A_298, %swap3A_299] {strides = array<i32>} : memref<32x128xf32, #tpu.memory_space<vmem>>, vector<16xf32>,
        tpu.vector_store %arg8[%swap3A_298, %swap3A_299], %gather3A_297 {strides = array<i32>} : memref<32x128xf32, #tpu.memory_space<vmem>>, vector<16xf32>,
      }
      %scan3A_100 = arith.constant 32 : i32
      %shift_right_arithmetic3A_101 = arith.constant 4 : i32
      %shift_right_arithmetic3A_102 = arith.shrsi %add3A_44, %shift_right_arithmetic3A_101 : i32
      %and3A_103 = arith.constant 15 : i32
      %and3A_104 = arith.andi %add3A_44, %and3A_103 : i32
      %shift_right_arithmetic3A_105 = arith.constant 3 : i32
      %shift_right_arithmetic3A_106 = arith.shrsi %and3A_104, %shift_right_arithmetic3A_105 : i32
      %and3A_107 = arith.constant 7 : i32
      %and3A_108 = arith.andi %add3A_44, %and3A_107 : i32
      %dma_start3A_109 = arith.constant 32 : i32
      %dma_start3A_110 = arith.constant 0 : i32
      %dma_start3A_111 = tpu.memref_slice %arg4[%shift_right_arithmetic3A_102, %shift_right_arithmetic3A_106, %dma_start3A_109, %and3A_108, %dma_start3A_110] : memref<26x2x128x8x128xf32, #tpu.memory_space<hbm>> -> memref<1x1x32x1x128xf32, #tpu.memory_space<hbm>>
      %dma_start3A_112 = tpu.memref_squeeze %dma_start3A_111 : memref<1x1x32x1x128xf32, #tpu.memory_space<hbm>> -> memref<32x128xf32, #tpu.memory_space<hbm>>
      %dma_start3A_113 = arith.constant 32 : i32
      %dma_start3A_114 = arith.constant 0 : i32
      %dma_start3A_115 = tpu.memref_slice %arg4[%shift_right_arithmetic3A_102, %shift_right_arithmetic3A_106, %dma_start3A_113, %and3A_108, %dma_start3A_114] : memref<26x2x128x8x128xf32, #tpu.memory_space<hbm>> -> memref<1x1x32x1x128xf32, #tpu.memory_space<hbm>>
      %dma_start3A_116 = tpu.memref_squeeze %dma_start3A_115 : memref<1x1x32x1x128xf32, #tpu.memory_space<hbm>> -> memref<32x128xf32, #tpu.memory_space<hbm>>
      tpu.enqueue_dma source(%arg8 : memref<32x128xf32, #tpu.memory_space<vmem>>) target(%dma_start3A_116 : memref<32x128xf32, #tpu.memory_space<hbm>>) target_semaphore(%arg12 : memref<!tpu.dma_semaphore, #tpu.memory_space<semaphore_mem>>)
      %shift_right_arithmetic3A_117 = arith.constant 4 : i32
      %shift_right_arithmetic3A_118 = arith.shrsi %add3A_44, %shift_right_arithmetic3A_117 : i32
      %and3A_119 = arith.constant 15 : i32
      %and3A_120 = arith.andi %add3A_44, %and3A_119 : i32
      %shift_right_arithmetic3A_121 = arith.constant 3 : i32
      %shift_right_arithmetic3A_122 = arith.shrsi %and3A_120, %shift_right_arithmetic3A_121 : i32
      %and3A_123 = arith.constant 7 : i32
      %and3A_124 = arith.andi %add3A_44, %and3A_123 : i32
      %dma_wait3A_125 = arith.constant 0 : i32
      %dma_wait3A_126 = arith.constant 0 : i32
      %dma_wait3A_127 = tpu.memref_slice %arg4[%shift_right_arithmetic3A_118, %shift_right_arithmetic3A_122, %dma_wait3A_125, %and3A_124, %dma_wait3A_126] : memref<26x2x128x8x128xf32, #tpu.memory_space<hbm>> -> memref<1x1x32x1x128xf32, #tpu.memory_space<hbm>>
      %dma_wait3A_128 = tpu.memref_squeeze %dma_wait3A_127 : memref<1x1x32x1x128xf32, #tpu.memory_space<hbm>> -> memref<32x128xf32, #tpu.memory_space<hbm>>
      %dma_wait3A_129 = arith.constant 0 : i32
      %dma_wait3A_130 = arith.constant 0 : i32
      %dma_wait3A_131 = tpu.memref_slice %arg4[%shift_right_arithmetic3A_118, %shift_right_arithmetic3A_122, %dma_wait3A_129, %and3A_124, %dma_wait3A_130] : memref<26x2x128x8x128xf32, #tpu.memory_space<hbm>> -> memref<1x1x32x1x128xf32, #tpu.memory_space<hbm>>
      %dma_wait3A_132 = tpu.memref_squeeze %dma_wait3A_131 : memref<1x1x32x1x128xf32, #tpu.memory_space<hbm>> -> memref<32x128xf32, #tpu.memory_space<hbm>>
      tpu.wait_dma2 semaphore(%arg11 : memref<!tpu.dma_semaphore, #tpu.memory_space<semaphore_mem>>) src(%arg7 : memref<32x128xf32, #tpu.memory_space<vmem>>) dst(%dma_wait3A_132 : memref<32x128xf32, #tpu.memory_space<hbm>>)
      %scan3A_133 = arith.constant 0 : i32
      %scan3A_134 = arith.constant 32 : i32
      %scan3A_135 = arith.addi %scan3A_133, %scan3A_134 : i32
      %scan3A_136 = arith.constant 1 : i32
      scf.for %scan3A_191 = %scan3A_133 to %scan3A_135 step %scan3A_136  : i32 {
        %add3A_192 = arith.constant 64 : i32
        %add3A_193 = arith.addi %add3A_192, %scan3A_191 : i32
        %mul3A_194 = arith.constant 8 : i32
        %mul3A_195 = arith.muli %add3A_193, %mul3A_194 : i32
        %add3A_196 = arith.constant 0 : i32
        %add3A_197 = arith.addi %mul3A_195, %add3A_196 : i32
        %mul3A_198 = arith.constant 16 : i32
        %mul3A_199 = arith.muli %add3A_197, %mul3A_198 : i32
        %get3A = arith.index_cast %mul3A_199 : i32 to index
        %get3A_200 = tpu.vector_load %arg6[%get3A] {strides = array<i32>} : memref<16384xi32, #tpu.memory_space<vmem>>, vector<16xi32>,
        %gather3A = tpu.vector_load_idx %arg5[%get3A_200] : memref<100000xf32, #tpu.memory_space<vmem>>[vector<16xi32>], vector<16xf32>,
        %swap3A = arith.index_cast %scan3A_191 : i32 to index
        %swap3A_201 = arith.constant 0 : index
        %swap3A_202 = tpu.vector_load %arg7[%swap3A, %swap3A_201] {strides = array<i32>} : memref<32x128xf32, #tpu.memory_space<vmem>>, vector<16xf32>,
        tpu.vector_store %arg7[%swap3A, %swap3A_201], %gather3A {strides = array<i32>} : memref<32x128xf32, #tpu.memory_space<vmem>>, vector<16xf32>,
        %add3A_203 = arith.constant 64 : i32
        %add3A_204 = arith.addi %add3A_203, %scan3A_191 : i32
        %mul3A_205 = arith.constant 8 : i32
        %mul3A_206 = arith.muli %add3A_204, %mul3A_205 : i32
        %add3A_207 = arith.constant 1 : i32
        %add3A_208 = arith.addi %mul3A_206, %add3A_207 : i32
        %mul3A_209 = arith.constant 16 : i32
        %mul3A_210 = arith.muli %add3A_208, %mul3A_209 : i32
        %get3A_211 = arith.index_cast %mul3A_210 : i32 to index
        %get3A_212 = tpu.vector_load %arg6[%get3A_211] {strides = array<i32>} : memref<16384xi32, #tpu.memory_space<vmem>>, vector<16xi32>,
        %gather3A_213 = tpu.vector_load_idx %arg5[%get3A_212] : memref<100000xf32, #tpu.memory_space<vmem>>[vector<16xi32>], vector<16xf32>,
        %swap3A_214 = arith.index_cast %scan3A_191 : i32 to index
        %swap3A_215 = arith.constant 16 : index
        %swap3A_216 = tpu.vector_load %arg7[%swap3A_214, %swap3A_215] {strides = array<i32>} : memref<32x128xf32, #tpu.memory_space<vmem>>, vector<16xf32>,
        tpu.vector_store %arg7[%swap3A_214, %swap3A_215], %gather3A_213 {strides = array<i32>} : memref<32x128xf32, #tpu.memory_space<vmem>>, vector<16xf32>,
        %add3A_217 = arith.constant 64 : i32
        %add3A_218 = arith.addi %add3A_217, %scan3A_191 : i32
        %mul3A_219 = arith.constant 8 : i32
        %mul3A_220 = arith.muli %add3A_218, %mul3A_219 : i32
        %add3A_221 = arith.constant 2 : i32
        %add3A_222 = arith.addi %mul3A_220, %add3A_221 : i32
        %mul3A_223 = arith.constant 16 : i32
        %mul3A_224 = arith.muli %add3A_222, %mul3A_223 : i32
        %get3A_225 = arith.index_cast %mul3A_224 : i32 to index
        %get3A_226 = tpu.vector_load %arg6[%get3A_225] {strides = array<i32>} : memref<16384xi32, #tpu.memory_space<vmem>>, vector<16xi32>,
        %gather3A_227 = tpu.vector_load_idx %arg5[%get3A_226] : memref<100000xf32, #tpu.memory_space<vmem>>[vector<16xi32>], vector<16xf32>,
        %swap3A_228 = arith.index_cast %scan3A_191 : i32 to index
        %swap3A_229 = arith.constant 32 : index
        %swap3A_230 = tpu.vector_load %arg7[%swap3A_228, %swap3A_229] {strides = array<i32>} : memref<32x128xf32, #tpu.memory_space<vmem>>, vector<16xf32>,
        tpu.vector_store %arg7[%swap3A_228, %swap3A_229], %gather3A_227 {strides = array<i32>} : memref<32x128xf32, #tpu.memory_space<vmem>>, vector<16xf32>,
        %add3A_231 = arith.constant 64 : i32
        %add3A_232 = arith.addi %add3A_231, %scan3A_191 : i32
        %mul3A_233 = arith.constant 8 : i32
        %mul3A_234 = arith.muli %add3A_232, %mul3A_233 : i32
        %add3A_235 = arith.constant 3 : i32
        %add3A_236 = arith.addi %mul3A_234, %add3A_235 : i32
        %mul3A_237 = arith.constant 16 : i32
        %mul3A_238 = arith.muli %add3A_236, %mul3A_237 : i32
        %get3A_239 = arith.index_cast %mul3A_238 : i32 to index
        %get3A_240 = tpu.vector_load %arg6[%get3A_239] {strides = array<i32>} : memref<16384xi32, #tpu.memory_space<vmem>>, vector<16xi32>,
        %gather3A_241 = tpu.vector_load_idx %arg5[%get3A_240] : memref<100000xf32, #tpu.memory_space<vmem>>[vector<16xi32>], vector<16xf32>,
        %swap3A_242 = arith.index_cast %scan3A_191 : i32 to index
        %swap3A_243 = arith.constant 48 : index
        %swap3A_244 = tpu.vector_load %arg7[%swap3A_242, %swap3A_243] {strides = array<i32>} : memref<32x128xf32, #tpu.memory_space<vmem>>, vector<16xf32>,
        tpu.vector_store %arg7[%swap3A_242, %swap3A_243], %gather3A_241 {strides = array<i32>} : memref<32x128xf32, #tpu.memory_space<vmem>>, vector<16xf32>,
        %add3A_245 = arith.constant 64 : i32
        %add3A_246 = arith.addi %add3A_245, %scan3A_191 : i32
        %mul3A_247 = arith.constant 8 : i32
        %mul3A_248 = arith.muli %add3A_246, %mul3A_247 : i32
        %add3A_249 = arith.constant 4 : i32
        %add3A_250 = arith.addi %mul3A_248, %add3A_249 : i32
        %mul3A_251 = arith.constant 16 : i32
        %mul3A_252 = arith.muli %add3A_250, %mul3A_251 : i32
        %get3A_253 = arith.index_cast %mul3A_252 : i32 to index
        %get3A_254 = tpu.vector_load %arg6[%get3A_253] {strides = array<i32>} : memref<16384xi32, #tpu.memory_space<vmem>>, vector<16xi32>,
        %gather3A_255 = tpu.vector_load_idx %arg5[%get3A_254] : memref<100000xf32, #tpu.memory_space<vmem>>[vector<16xi32>], vector<16xf32>,
        %swap3A_256 = arith.index_cast %scan3A_191 : i32 to index
        %swap3A_257 = arith.constant 64 : index
        %swap3A_258 = tpu.vector_load %arg7[%swap3A_256, %swap3A_257] {strides = array<i32>} : memref<32x128xf32, #tpu.memory_space<vmem>>, vector<16xf32>,
        tpu.vector_store %arg7[%swap3A_256, %swap3A_257], %gather3A_255 {strides = array<i32>} : memref<32x128xf32, #tpu.memory_space<vmem>>, vector<16xf32>,
        %add3A_259 = arith.constant 64 : i32
        %add3A_260 = arith.addi %add3A_259, %scan3A_191 : i32
        %mul3A_261 = arith.constant 8 : i32
        %mul3A_262 = arith.muli %add3A_260, %mul3A_261 : i32
        %add3A_263 = arith.constant 5 : i32
        %add3A_264 = arith.addi %mul3A_262, %add3A_263 : i32
        %mul3A_265 = arith.constant 16 : i32
        %mul3A_266 = arith.muli %add3A_264, %mul3A_265 : i32
        %get3A_267 = arith.index_cast %mul3A_266 : i32 to index
        %get3A_268 = tpu.vector_load %arg6[%get3A_267] {strides = array<i32>} : memref<16384xi32, #tpu.memory_space<vmem>>, vector<16xi32>,
        %gather3A_269 = tpu.vector_load_idx %arg5[%get3A_268] : memref<100000xf32, #tpu.memory_space<vmem>>[vector<16xi32>], vector<16xf32>,
        %swap3A_270 = arith.index_cast %scan3A_191 : i32 to index
        %swap3A_271 = arith.constant 80 : index
        %swap3A_272 = tpu.vector_load %arg7[%swap3A_270, %swap3A_271] {strides = array<i32>} : memref<32x128xf32, #tpu.memory_space<vmem>>, vector<16xf32>,
        tpu.vector_store %arg7[%swap3A_270, %swap3A_271], %gather3A_269 {strides = array<i32>} : memref<32x128xf32, #tpu.memory_space<vmem>>, vector<16xf32>,
        %add3A_273 = arith.constant 64 : i32
        %add3A_274 = arith.addi %add3A_273, %scan3A_191 : i32
        %mul3A_275 = arith.constant 8 : i32
        %mul3A_276 = arith.muli %add3A_274, %mul3A_275 : i32
        %add3A_277 = arith.constant 6 : i32
        %add3A_278 = arith.addi %mul3A_276, %add3A_277 : i32
        %mul3A_279 = arith.constant 16 : i32
        %mul3A_280 = arith.muli %add3A_278, %mul3A_279 : i32
        %get3A_281 = arith.index_cast %mul3A_280 : i32 to index
        %get3A_282 = tpu.vector_load %arg6[%get3A_281] {strides = array<i32>} : memref<16384xi32, #tpu.memory_space<vmem>>, vector<16xi32>,
        %gather3A_283 = tpu.vector_load_idx %arg5[%get3A_282] : memref<100000xf32, #tpu.memory_space<vmem>>[vector<16xi32>], vector<16xf32>,
        %swap3A_284 = arith.index_cast %scan3A_191 : i32 to index
        %swap3A_285 = arith.constant 96 : index
        %swap3A_286 = tpu.vector_load %arg7[%swap3A_284, %swap3A_285] {strides = array<i32>} : memref<32x128xf32, #tpu.memory_space<vmem>>, vector<16xf32>,
        tpu.vector_store %arg7[%swap3A_284, %swap3A_285], %gather3A_283 {strides = array<i32>} : memref<32x128xf32, #tpu.memory_space<vmem>>, vector<16xf32>,
        %add3A_287 = arith.constant 64 : i32
        %add3A_288 = arith.addi %add3A_287, %scan3A_191 : i32
        %mul3A_289 = arith.constant 8 : i32
        %mul3A_290 = arith.muli %add3A_288, %mul3A_289 : i32
        %add3A_291 = arith.constant 7 : i32
        %add3A_292 = arith.addi %mul3A_290, %add3A_291 : i32
        %mul3A_293 = arith.constant 16 : i32
        %mul3A_294 = arith.muli %add3A_292, %mul3A_293 : i32
        %get3A_295 = arith.index_cast %mul3A_294 : i32 to index
        %get3A_296 = tpu.vector_load %arg6[%get3A_295] {strides = array<i32>} : memref<16384xi32, #tpu.memory_space<vmem>>, vector<16xi32>,
        %gather3A_297 = tpu.vector_load_idx %arg5[%get3A_296] : memref<100000xf32, #tpu.memory_space<vmem>>[vector<16xi32>], vector<16xf32>,
        %swap3A_298 = arith.index_cast %scan3A_191 : i32 to index
        %swap3A_299 = arith.constant 112 : index
        %swap3A_300 = tpu.vector_load %arg7[%swap3A_298, %swap3A_299] {strides = array<i32>} : memref<32x128xf32, #tpu.memory_space<vmem>>, vector<16xf32>,
        tpu.vector_store %arg7[%swap3A_298, %swap3A_299], %gather3A_297 {strides = array<i32>} : memref<32x128xf32, #tpu.memory_space<vmem>>, vector<16xf32>,
      }
      %scan3A_137 = arith.constant 32 : i32
      %shift_right_arithmetic3A_138 = arith.constant 4 : i32
      %shift_right_arithmetic3A_139 = arith.shrsi %add3A_44, %shift_right_arithmetic3A_138 : i32
      %and3A_140 = arith.constant 15 : i32
      %and3A_141 = arith.andi %add3A_44, %and3A_140 : i32
      %shift_right_arithmetic3A_142 = arith.constant 3 : i32
      %shift_right_arithmetic3A_143 = arith.shrsi %and3A_141, %shift_right_arithmetic3A_142 : i32
      %and3A_144 = arith.constant 7 : i32
      %and3A_145 = arith.andi %add3A_44, %and3A_144 : i32
      %dma_start3A_146 = arith.constant 64 : i32
      %dma_start3A_147 = arith.constant 0 : i32
      %dma_start3A_148 = tpu.memref_slice %arg4[%shift_right_arithmetic3A_139, %shift_right_arithmetic3A_143, %dma_start3A_146, %and3A_145, %dma_start3A_147] : memref<26x2x128x8x128xf32, #tpu.memory_space<hbm>> -> memref<1x1x32x1x128xf32, #tpu.memory_space<hbm>>
      %dma_start3A_149 = tpu.memref_squeeze %dma_start3A_148 : memref<1x1x32x1x128xf32, #tpu.memory_space<hbm>> -> memref<32x128xf32, #tpu.memory_space<hbm>>
      %dma_start3A_150 = arith.constant 64 : i32
      %dma_start3A_151 = arith.constant 0 : i32
      %dma_start3A_152 = tpu.memref_slice %arg4[%shift_right_arithmetic3A_139, %shift_right_arithmetic3A_143, %dma_start3A_150, %and3A_145, %dma_start3A_151] : memref<26x2x128x8x128xf32, #tpu.memory_space<hbm>> -> memref<1x1x32x1x128xf32, #tpu.memory_space<hbm>>
      %dma_start3A_153 = tpu.memref_squeeze %dma_start3A_152 : memref<1x1x32x1x128xf32, #tpu.memory_space<hbm>> -> memref<32x128xf32, #tpu.memory_space<hbm>>
      tpu.enqueue_dma source(%arg7 : memref<32x128xf32, #tpu.memory_space<vmem>>) target(%dma_start3A_153 : memref<32x128xf32, #tpu.memory_space<hbm>>) target_semaphore(%arg11 : memref<!tpu.dma_semaphore, #tpu.memory_space<semaphore_mem>>)
      %shift_right_arithmetic3A_154 = arith.constant 4 : i32
      %shift_right_arithmetic3A_155 = arith.shrsi %add3A_44, %shift_right_arithmetic3A_154 : i32
      %and3A_156 = arith.constant 15 : i32
      %and3A_157 = arith.andi %add3A_44, %and3A_156 : i32
      %shift_right_arithmetic3A_158 = arith.constant 3 : i32
      %shift_right_arithmetic3A_159 = arith.shrsi %and3A_157, %shift_right_arithmetic3A_158 : i32
      %and3A_160 = arith.constant 7 : i32
      %and3A_161 = arith.andi %add3A_44, %and3A_160 : i32
      %dma_wait3A_162 = arith.constant 32 : i32
      %dma_wait3A_163 = arith.constant 0 : i32
      %dma_wait3A_164 = tpu.memref_slice %arg4[%shift_right_arithmetic3A_155, %shift_right_arithmetic3A_159, %dma_wait3A_162, %and3A_161, %dma_wait3A_163] : memref<26x2x128x8x128xf32, #tpu.memory_space<hbm>> -> memref<1x1x32x1x128xf32, #tpu.memory_space<hbm>>
      %dma_wait3A_165 = tpu.memref_squeeze %dma_wait3A_164 : memref<1x1x32x1x128xf32, #tpu.memory_space<hbm>> -> memref<32x128xf32, #tpu.memory_space<hbm>>
      %dma_wait3A_166 = arith.constant 32 : i32
      %dma_wait3A_167 = arith.constant 0 : i32
      %dma_wait3A_168 = tpu.memref_slice %arg4[%shift_right_arithmetic3A_155, %shift_right_arithmetic3A_159, %dma_wait3A_166, %and3A_161, %dma_wait3A_167] : memref<26x2x128x8x128xf32, #tpu.memory_space<hbm>> -> memref<1x1x32x1x128xf32, #tpu.memory_space<hbm>>
      %dma_wait3A_169 = tpu.memref_squeeze %dma_wait3A_168 : memref<1x1x32x1x128xf32, #tpu.memory_space<hbm>> -> memref<32x128xf32, #tpu.memory_space<hbm>>
      tpu.wait_dma2 semaphore(%arg12 : memref<!tpu.dma_semaphore, #tpu.memory_space<semaphore_mem>>) src(%arg8 : memref<32x128xf32, #tpu.memory_space<vmem>>) dst(%dma_wait3A_169 : memref<32x128xf32, #tpu.memory_space<hbm>>)
      %scan3A_170 = arith.constant 0 : i32
      %scan3A_171 = arith.constant 32 : i32
      %scan3A_172 = arith.addi %scan3A_170, %scan3A_171 : i32
      %scan3A_173 = arith.constant 1 : i32
      scf.for %scan3A_191 = %scan3A_170 to %scan3A_172 step %scan3A_173  : i32 {
        %add3A_192 = arith.constant 96 : i32
        %add3A_193 = arith.addi %add3A_192, %scan3A_191 : i32
        %mul3A_194 = arith.constant 8 : i32
        %mul3A_195 = arith.muli %add3A_193, %mul3A_194 : i32
        %add3A_196 = arith.constant 0 : i32
        %add3A_197 = arith.addi %mul3A_195, %add3A_196 : i32
        %mul3A_198 = arith.constant 16 : i32
        %mul3A_199 = arith.muli %add3A_197, %mul3A_198 : i32
        %get3A = arith.index_cast %mul3A_199 : i32 to index
        %get3A_200 = tpu.vector_load %arg6[%get3A] {strides = array<i32>} : memref<16384xi32, #tpu.memory_space<vmem>>, vector<16xi32>,
        %gather3A = tpu.vector_load_idx %arg5[%get3A_200] : memref<100000xf32, #tpu.memory_space<vmem>>[vector<16xi32>], vector<16xf32>,
        %swap3A = arith.index_cast %scan3A_191 : i32 to index
        %swap3A_201 = arith.constant 0 : index
        %swap3A_202 = tpu.vector_load %arg8[%swap3A, %swap3A_201] {strides = array<i32>} : memref<32x128xf32, #tpu.memory_space<vmem>>, vector<16xf32>,
        tpu.vector_store %arg8[%swap3A, %swap3A_201], %gather3A {strides = array<i32>} : memref<32x128xf32, #tpu.memory_space<vmem>>, vector<16xf32>,
        %add3A_203 = arith.constant 96 : i32
        %add3A_204 = arith.addi %add3A_203, %scan3A_191 : i32
        %mul3A_205 = arith.constant 8 : i32
        %mul3A_206 = arith.muli %add3A_204, %mul3A_205 : i32
        %add3A_207 = arith.constant 1 : i32
        %add3A_208 = arith.addi %mul3A_206, %add3A_207 : i32
        %mul3A_209 = arith.constant 16 : i32
        %mul3A_210 = arith.muli %add3A_208, %mul3A_209 : i32
        %get3A_211 = arith.index_cast %mul3A_210 : i32 to index
        %get3A_212 = tpu.vector_load %arg6[%get3A_211] {strides = array<i32>} : memref<16384xi32, #tpu.memory_space<vmem>>, vector<16xi32>,
        %gather3A_213 = tpu.vector_load_idx %arg5[%get3A_212] : memref<100000xf32, #tpu.memory_space<vmem>>[vector<16xi32>], vector<16xf32>,
        %swap3A_214 = arith.index_cast %scan3A_191 : i32 to index
        %swap3A_215 = arith.constant 16 : index
        %swap3A_216 = tpu.vector_load %arg8[%swap3A_214, %swap3A_215] {strides = array<i32>} : memref<32x128xf32, #tpu.memory_space<vmem>>, vector<16xf32>,
        tpu.vector_store %arg8[%swap3A_214, %swap3A_215], %gather3A_213 {strides = array<i32>} : memref<32x128xf32, #tpu.memory_space<vmem>>, vector<16xf32>,
        %add3A_217 = arith.constant 96 : i32
        %add3A_218 = arith.addi %add3A_217, %scan3A_191 : i32
        %mul3A_219 = arith.constant 8 : i32
        %mul3A_220 = arith.muli %add3A_218, %mul3A_219 : i32
        %add3A_221 = arith.constant 2 : i32
        %add3A_222 = arith.addi %mul3A_220, %add3A_221 : i32
        %mul3A_223 = arith.constant 16 : i32
        %mul3A_224 = arith.muli %add3A_222, %mul3A_223 : i32
        %get3A_225 = arith.index_cast %mul3A_224 : i32 to index
        %get3A_226 = tpu.vector_load %arg6[%get3A_225] {strides = array<i32>} : memref<16384xi32, #tpu.memory_space<vmem>>, vector<16xi32>,
        %gather3A_227 = tpu.vector_load_idx %arg5[%get3A_226] : memref<100000xf32, #tpu.memory_space<vmem>>[vector<16xi32>], vector<16xf32>,
        %swap3A_228 = arith.index_cast %scan3A_191 : i32 to index
        %swap3A_229 = arith.constant 32 : index
        %swap3A_230 = tpu.vector_load %arg8[%swap3A_228, %swap3A_229] {strides = array<i32>} : memref<32x128xf32, #tpu.memory_space<vmem>>, vector<16xf32>,
        tpu.vector_store %arg8[%swap3A_228, %swap3A_229], %gather3A_227 {strides = array<i32>} : memref<32x128xf32, #tpu.memory_space<vmem>>, vector<16xf32>,
        %add3A_231 = arith.constant 96 : i32
        %add3A_232 = arith.addi %add3A_231, %scan3A_191 : i32
        %mul3A_233 = arith.constant 8 : i32
        %mul3A_234 = arith.muli %add3A_232, %mul3A_233 : i32
        %add3A_235 = arith.constant 3 : i32
        %add3A_236 = arith.addi %mul3A_234, %add3A_235 : i32
        %mul3A_237 = arith.constant 16 : i32
        %mul3A_238 = arith.muli %add3A_236, %mul3A_237 : i32
        %get3A_239 = arith.index_cast %mul3A_238 : i32 to index
        %get3A_240 = tpu.vector_load %arg6[%get3A_239] {strides = array<i32>} : memref<16384xi32, #tpu.memory_space<vmem>>, vector<16xi32>,
        %gather3A_241 = tpu.vector_load_idx %arg5[%get3A_240] : memref<100000xf32, #tpu.memory_space<vmem>>[vector<16xi32>], vector<16xf32>,
        %swap3A_242 = arith.index_cast %scan3A_191 : i32 to index
        %swap3A_243 = arith.constant 48 : index
        %swap3A_244 = tpu.vector_load %arg8[%swap3A_242, %swap3A_243] {strides = array<i32>} : memref<32x128xf32, #tpu.memory_space<vmem>>, vector<16xf32>,
        tpu.vector_store %arg8[%swap3A_242, %swap3A_243], %gather3A_241 {strides = array<i32>} : memref<32x128xf32, #tpu.memory_space<vmem>>, vector<16xf32>,
        %add3A_245 = arith.constant 96 : i32
        %add3A_246 = arith.addi %add3A_245, %scan3A_191 : i32
        %mul3A_247 = arith.constant 8 : i32
        %mul3A_248 = arith.muli %add3A_246, %mul3A_247 : i32
        %add3A_249 = arith.constant 4 : i32
        %add3A_250 = arith.addi %mul3A_248, %add3A_249 : i32
        %mul3A_251 = arith.constant 16 : i32
        %mul3A_252 = arith.muli %add3A_250, %mul3A_251 : i32
        %get3A_253 = arith.index_cast %mul3A_252 : i32 to index
        %get3A_254 = tpu.vector_load %arg6[%get3A_253] {strides = array<i32>} : memref<16384xi32, #tpu.memory_space<vmem>>, vector<16xi32>,
        %gather3A_255 = tpu.vector_load_idx %arg5[%get3A_254] : memref<100000xf32, #tpu.memory_space<vmem>>[vector<16xi32>], vector<16xf32>,
        %swap3A_256 = arith.index_cast %scan3A_191 : i32 to index
        %swap3A_257 = arith.constant 64 : index
        %swap3A_258 = tpu.vector_load %arg8[%swap3A_256, %swap3A_257] {strides = array<i32>} : memref<32x128xf32, #tpu.memory_space<vmem>>, vector<16xf32>,
        tpu.vector_store %arg8[%swap3A_256, %swap3A_257], %gather3A_255 {strides = array<i32>} : memref<32x128xf32, #tpu.memory_space<vmem>>, vector<16xf32>,
        %add3A_259 = arith.constant 96 : i32
        %add3A_260 = arith.addi %add3A_259, %scan3A_191 : i32
        %mul3A_261 = arith.constant 8 : i32
        %mul3A_262 = arith.muli %add3A_260, %mul3A_261 : i32
        %add3A_263 = arith.constant 5 : i32
        %add3A_264 = arith.addi %mul3A_262, %add3A_263 : i32
        %mul3A_265 = arith.constant 16 : i32
        %mul3A_266 = arith.muli %add3A_264, %mul3A_265 : i32
        %get3A_267 = arith.index_cast %mul3A_266 : i32 to index
        %get3A_268 = tpu.vector_load %arg6[%get3A_267] {strides = array<i32>} : memref<16384xi32, #tpu.memory_space<vmem>>, vector<16xi32>,
        %gather3A_269 = tpu.vector_load_idx %arg5[%get3A_268] : memref<100000xf32, #tpu.memory_space<vmem>>[vector<16xi32>], vector<16xf32>,
        %swap3A_270 = arith.index_cast %scan3A_191 : i32 to index
        %swap3A_271 = arith.constant 80 : index
        %swap3A_272 = tpu.vector_load %arg8[%swap3A_270, %swap3A_271] {strides = array<i32>} : memref<32x128xf32, #tpu.memory_space<vmem>>, vector<16xf32>,
        tpu.vector_store %arg8[%swap3A_270, %swap3A_271], %gather3A_269 {strides = array<i32>} : memref<32x128xf32, #tpu.memory_space<vmem>>, vector<16xf32>,
        %add3A_273 = arith.constant 96 : i32
        %add3A_274 = arith.addi %add3A_273, %scan3A_191 : i32
        %mul3A_275 = arith.constant 8 : i32
        %mul3A_276 = arith.muli %add3A_274, %mul3A_275 : i32
        %add3A_277 = arith.constant 6 : i32
        %add3A_278 = arith.addi %mul3A_276, %add3A_277 : i32
        %mul3A_279 = arith.constant 16 : i32
        %mul3A_280 = arith.muli %add3A_278, %mul3A_279 : i32
        %get3A_281 = arith.index_cast %mul3A_280 : i32 to index
        %get3A_282 = tpu.vector_load %arg6[%get3A_281] {strides = array<i32>} : memref<16384xi32, #tpu.memory_space<vmem>>, vector<16xi32>,
        %gather3A_283 = tpu.vector_load_idx %arg5[%get3A_282] : memref<100000xf32, #tpu.memory_space<vmem>>[vector<16xi32>], vector<16xf32>,
        %swap3A_284 = arith.index_cast %scan3A_191 : i32 to index
        %swap3A_285 = arith.constant 96 : index
        %swap3A_286 = tpu.vector_load %arg8[%swap3A_284, %swap3A_285] {strides = array<i32>} : memref<32x128xf32, #tpu.memory_space<vmem>>, vector<16xf32>,
        tpu.vector_store %arg8[%swap3A_284, %swap3A_285], %gather3A_283 {strides = array<i32>} : memref<32x128xf32, #tpu.memory_space<vmem>>, vector<16xf32>,
        %add3A_287 = arith.constant 96 : i32
        %add3A_288 = arith.addi %add3A_287, %scan3A_191 : i32
        %mul3A_289 = arith.constant 8 : i32
        %mul3A_290 = arith.muli %add3A_288, %mul3A_289 : i32
        %add3A_291 = arith.constant 7 : i32
        %add3A_292 = arith.addi %mul3A_290, %add3A_291 : i32
        %mul3A_293 = arith.constant 16 : i32
        %mul3A_294 = arith.muli %add3A_292, %mul3A_293 : i32
        %get3A_295 = arith.index_cast %mul3A_294 : i32 to index
        %get3A_296 = tpu.vector_load %arg6[%get3A_295] {strides = array<i32>} : memref<16384xi32, #tpu.memory_space<vmem>>, vector<16xi32>,
        %gather3A_297 = tpu.vector_load_idx %arg5[%get3A_296] : memref<100000xf32, #tpu.memory_space<vmem>>[vector<16xi32>], vector<16xf32>,
        %swap3A_298 = arith.index_cast %scan3A_191 : i32 to index
        %swap3A_299 = arith.constant 112 : index
        %swap3A_300 = tpu.vector_load %arg8[%swap3A_298, %swap3A_299] {strides = array<i32>} : memref<32x128xf32, #tpu.memory_space<vmem>>, vector<16xf32>,
        tpu.vector_store %arg8[%swap3A_298, %swap3A_299], %gather3A_297 {strides = array<i32>} : memref<32x128xf32, #tpu.memory_space<vmem>>, vector<16xf32>,
      }
      %scan3A_174 = arith.constant 32 : i32
      %shift_right_arithmetic3A_175 = arith.constant 4 : i32
      %shift_right_arithmetic3A_176 = arith.shrsi %add3A_44, %shift_right_arithmetic3A_175 : i32
      %and3A_177 = arith.constant 15 : i32
      %and3A_178 = arith.andi %add3A_44, %and3A_177 : i32
      %shift_right_arithmetic3A_179 = arith.constant 3 : i32
      %shift_right_arithmetic3A_180 = arith.shrsi %and3A_178, %shift_right_arithmetic3A_179 : i32
      %and3A_181 = arith.constant 7 : i32
      %and3A_182 = arith.andi %add3A_44, %and3A_181 : i32
      %dma_start3A_183 = arith.constant 96 : i32
      %dma_start3A_184 = arith.constant 0 : i32
      %dma_start3A_185 = tpu.memref_slice %arg4[%shift_right_arithmetic3A_176, %shift_right_arithmetic3A_180, %dma_start3A_183, %and3A_182, %dma_start3A_184] : memref<26x2x128x8x128xf32, #tpu.memory_space<hbm>> -> memref<1x1x32x1x128xf32, #tpu.memory_space<hbm>>
      %dma_start3A_186 = tpu.memref_squeeze %dma_start3A_185 : memref<1x1x32x1x128xf32, #tpu.memory_space<hbm>> -> memref<32x128xf32, #tpu.memory_space<hbm>>
      %dma_start3A_187 = arith.constant 96 : i32
      %dma_start3A_188 = arith.constant 0 : i32
      %dma_start3A_189 = tpu.memref_slice %arg4[%shift_right_arithmetic3A_176, %shift_right_arithmetic3A_180, %dma_start3A_187, %and3A_182, %dma_start3A_188] : memref<26x2x128x8x128xf32, #tpu.memory_space<hbm>> -> memref<1x1x32x1x128xf32, #tpu.memory_space<hbm>>
      %dma_start3A_190 = tpu.memref_squeeze %dma_start3A_189 : memref<1x1x32x1x128xf32, #tpu.memory_space<hbm>> -> memref<32x128xf32, #tpu.memory_space<hbm>>
      tpu.enqueue_dma source(%arg8 : memref<32x128xf32, #tpu.memory_space<vmem>>) target(%dma_start3A_190 : memref<32x128xf32, #tpu.memory_space<hbm>>) target_semaphore(%arg12 : memref<!tpu.dma_semaphore, #tpu.memory_space<semaphore_mem>>)
    }
    %scan3A_6 = arith.constant 13 : i32
    %add3A_7 = arith.constant 13 : i32
    %add3A_8 = arith.addi %mul3A_2, %add3A_7 : i32
    %sub3A = arith.constant 1 : i32
    %sub3A_9 = arith.subi %add3A_8, %sub3A : i32
    %shift_right_arithmetic3A = arith.constant 4 : i32
    %shift_right_arithmetic3A_10 = arith.shrsi %sub3A_9, %shift_right_arithmetic3A : i32
    %and3A = arith.constant 15 : i32
    %and3A_11 = arith.andi %sub3A_9, %and3A : i32
    %shift_right_arithmetic3A_12 = arith.constant 3 : i32
    %shift_right_arithmetic3A_13 = arith.shrsi %and3A_11, %shift_right_arithmetic3A_12 : i32
    %and3A_14 = arith.constant 7 : i32
    %and3A_15 = arith.andi %sub3A_9, %and3A_14 : i32
    %dma_wait3A = arith.constant 64 : i32
    %dma_wait3A_16 = arith.constant 0 : i32
    %dma_wait3A_17 = tpu.memref_slice %arg4[%shift_right_arithmetic3A_10, %shift_right_arithmetic3A_13, %dma_wait3A, %and3A_15, %dma_wait3A_16] : memref<26x2x128x8x128xf32, #tpu.memory_space<hbm>> -> memref<1x1x32x1x128xf32, #tpu.memory_space<hbm>>
    %dma_wait3A_18 = tpu.memref_squeeze %dma_wait3A_17 : memref<1x1x32x1x128xf32, #tpu.memory_space<hbm>> -> memref<32x128xf32, #tpu.memory_space<hbm>>
    %dma_wait3A_19 = arith.constant 64 : i32
    %dma_wait3A_20 = arith.constant 0 : i32
    %dma_wait3A_21 = tpu.memref_slice %arg4[%shift_right_arithmetic3A_10, %shift_right_arithmetic3A_13, %dma_wait3A_19, %and3A_15, %dma_wait3A_20] : memref<26x2x128x8x128xf32, #tpu.memory_space<hbm>> -> memref<1x1x32x1x128xf32, #tpu.memory_space<hbm>>
    %dma_wait3A_22 = tpu.memref_squeeze %dma_wait3A_21 : memref<1x1x32x1x128xf32, #tpu.memory_space<hbm>> -> memref<32x128xf32, #tpu.memory_space<hbm>>
    tpu.wait_dma2 semaphore(%arg11 : memref<!tpu.dma_semaphore, #tpu.memory_space<semaphore_mem>>) src(%arg7 : memref<32x128xf32, #tpu.memory_space<vmem>>) dst(%dma_wait3A_22 : memref<32x128xf32, #tpu.memory_space<hbm>>)
    %add3A_23 = arith.constant 13 : i32
    %add3A_24 = arith.addi %mul3A_2, %add3A_23 : i32
    %sub3A_25 = arith.constant 1 : i32
    %sub3A_26 = arith.subi %add3A_24, %sub3A_25 : i32
    %shift_right_arithmetic3A_27 = arith.constant 4 : i32
    %shift_right_arithmetic3A_28 = arith.shrsi %sub3A_26, %shift_right_arithmetic3A_27 : i32
    %and3A_29 = arith.constant 15 : i32
    %and3A_30 = arith.andi %sub3A_26, %and3A_29 : i32
    %shift_right_arithmetic3A_31 = arith.constant 3 : i32
    %shift_right_arithmetic3A_32 = arith.shrsi %and3A_30, %shift_right_arithmetic3A_31 : i32
    %and3A_33 = arith.constant 7 : i32
    %and3A_34 = arith.andi %sub3A_26, %and3A_33 : i32
    %dma_wait3A_35 = arith.constant 96 : i32
    %dma_wait3A_36 = arith.constant 0 : i32
    %dma_wait3A_37 = tpu.memref_slice %arg4[%shift_right_arithmetic3A_28, %shift_right_arithmetic3A_32, %dma_wait3A_35, %and3A_34, %dma_wait3A_36] : memref<26x2x128x8x128xf32, #tpu.memory_space<hbm>> -> memref<1x1x32x1x128xf32, #tpu.memory_space<hbm>>
    %dma_wait3A_38 = tpu.memref_squeeze %dma_wait3A_37 : memref<1x1x32x1x128xf32, #tpu.memory_space<hbm>> -> memref<32x128xf32, #tpu.memory_space<hbm>>
    %dma_wait3A_39 = arith.constant 96 : i32
    %dma_wait3A_40 = arith.constant 0 : i32
    %dma_wait3A_41 = tpu.memref_slice %arg4[%shift_right_arithmetic3A_28, %shift_right_arithmetic3A_32, %dma_wait3A_39, %and3A_34, %dma_wait3A_40] : memref<26x2x128x8x128xf32, #tpu.memory_space<hbm>> -> memref<1x1x32x1x128xf32, #tpu.memory_space<hbm>>
    %dma_wait3A_42 = tpu.memref_squeeze %dma_wait3A_41 : memref<1x1x32x1x128xf32, #tpu.memory_space<hbm>> -> memref<32x128xf32, #tpu.memory_space<hbm>>
    tpu.wait_dma2 semaphore(%arg12 : memref<!tpu.dma_semaphore, #tpu.memory_space<semaphore_mem>>) src(%arg8 : memref<32x128xf32, #tpu.memory_space<vmem>>) dst(%dma_wait3A_42 : memref<32x128xf32, #tpu.memory_space<hbm>>)
    return
  }
}

</mosaic_0001>

<sc_bundles>
// kernel: kernel.3.cloned.1.call-start
scs
__scs_entry_jumppad:
0x0: {  	(pc) =	sbr.rel $0x88, $3  }
0x1: {  	(tag) =	ssettag $0x0;
	lr =	simm.s32 $0x1  }
0x2: {  	[smem:$0x3F9F] =	sst lr;
	_ =	strace $0xD0000000  }
0x3: {  	_ = 	snop  }
0x4: {  	_ = 	snop  }
0x5: {  	_ = 	snop  }
0x6: {  	_ = 	snop  }
0x7: {  	_ = 	snop  }
__scs_overlays_trampoline_lowered:
0x8: {  	[smem:$0x3FAE] =	sst s0  }
0x9: {  	[smem:$0x3FAF] =	sst s1  }
0xa: {  	[smem:$0x3FB0] =	sst s2  }
0xb: {  	[smem:$0x3FB1] =	sst s3  }
0xc: {  	[smem:$0x3FB2] =	sst s4  }
0xd: {  	[smem:$0x3FB3] =	sst s5  }
0xe: {  	[smem:$0x3FB4] =	sst s6  }
0xf: {  	[smem:$0x3FB5] =	sst s7  }
0x10: {  	[smem:$0x3FB6] =	sst s8  }
0x11: {  	[smem:$0x3FB7] =	sst s9;
	s0 =	simm.s32 @!p0 $0x0  }
0x12: {  	s1 =	sld [smem:$0x3F9D];
	s0 =	simm.s32 @p0 $0x1  }
0x13: {  	[smem:$0x3FB8] =	sst s0;
	s0 =	simm.s32 @!p1 $0x0  }
0x14: {  	s2 =	sld [smem:$0x3F9C];
	s0 =	simm.s32 @p1 $0x1  }
0x15: {  	[smem:$0x3FB9] =	sst s0;
	s0 =	simm.s32 @!p2 $0x0  }
0x16: {  	s3 =	sld [smem:$0x3FDB];
	s0 =	simm.s32 @p2 $0x1  }
0x17: {  	s4 =	simm.s32 $0x1BF5;
	[smem:$0x3FBB] =	sst s0  }
0x18: {  	s0 =	sld [smem:$0x3F9E];
	_ =	swait.ge [sflag:s4], $0x0  }
0x19: {  	s7 =	sld [smem:$0x3F9F]  }
0x1a: {  	s8 =	sadd.s32 $0xFFFFE003, lr  }
0x1b: {  	s9 =	sadd.s32 $0xFFFFFEF7, lr;
	s5 =	simm.s32 $0xFFFFFFFF;
	p2 =	slt.u32 s8, $0xFFFFF086  }
0x1c: {  	p1 =	slt.u32 s9, $0xF7A;
	s5 =	simm.s32 @!p2 $0x0  }
0x1d: {  	s5 =	simm.s32 @p1 $0x1;
	p0 =	seq.s32 s7, s2  }
0x1e: {  	s7 =	smul.u32 @!p0 $0xF7A, s2;
	p2 =	seq.s32 @!p0 s5, $0x0  }
0x1f: {  	s9 =	smul.u32 $0xF7A, s1;
	s8 =	simm.s32 @!p0 $0x1BF5;
	p2 =	por !p2, p0  }
0x20: {  	[sflag:s8] =	ssyncset.s32 @!p0 $0xFFFFF086;
	s6 =	sadd.s32 @!p0 s3, s7;
	s7 =	simm.s32 @!p0 $0x108  }
0x21: {  	s3 =	sadd.s32 s3, s9;
	s6 =	sadd.s32 @!p0 $0x88, s6;
	s7 =	simm.s32 @p2 $0x1082  }
0x22: {  	[simem:s7], [sflag:s8] =	dma.local @!p0 [hbm:s6], $0xF7A  }
0x23: {  	s9 =	sor.u32 $0xD0000000, s2;
	s6 =	simm.s32 $0x108;
	_ =	swait.ge @!p0 [sflag:s8], $0x0  }
0x24: {  	s3 =	sadd.s32 $0x88, s3;
	s6 =	simm.s32 @!p1 $0x1082;
	[sflag:s4] =	ssyncset.s32 $0xFFFFF086  }
0x25: {  	[simem:s6], [sflag:s4] =	dma.local [hbm:s3], $0xF7A  }
0x26: {  	[smem:$0x3F9F] =	sst s1;
	(tag) =	ssettag s2;
	_ =	strace s9  }
0x27: {  	s1 =	sld [smem:$0x3FAF]  }
0x28: {  	s2 =	sld [smem:$0x3FB0]  }
0x29: {  	s4 =	sld [smem:$0x3FB2]  }
0x2a: {  	p0 =	seq.s32 s5, $0x0;
	s5 =	sld [smem:$0x3FB3]  }
0x2b: {  	s6 =	sld [smem:$0x3FB4]  }
0x2c: {  	s7 =	sld [smem:$0x3FB5]  }
0x2d: {  	s3 =	simm.s32 $0x108;
	s8 =	sld [smem:$0x3FB6]  }
0x2e: {  	s3 =	simm.s32 @!p0 $0x1082;
	s9 =	sld [smem:$0x3FB7]  }
0x2f: {  	lr =	sadd.s32 s0, s3;
	s0 =	sld [smem:$0x3FAE]  }
0x30: {  	s3 =	sld [smem:$0x3FB1]  }
0x31: {  	[smem:$0x3FBA] =	sst s10  }
0x32: {  	s10 =	sld [smem:$0x3FB8];
	_ =	sdelay $0x3  }
0x33: {  	p0 =	seq.s32 s10, $0x1;
	s10 =	sld [smem:$0x3FBA];
	_ =	sdelay $0x3  }
0x34: {  	[smem:$0x3FBA] =	sst s10  }
0x35: {  	s10 =	sld [smem:$0x3FB9];
	_ =	sdelay $0x3  }
0x36: {  	p1 =	seq.s32 s10, $0x1;
	s10 =	sld [smem:$0x3FBA];
	_ =	sdelay $0x3  }
0x37: {  	[smem:$0x3FBA] =	sst s10  }
0x38: {  	s10 =	sld [smem:$0x3FBB]  }
0x39: {  	_ = 	snop;
	(pc) =	sbr.ind lr, $3  }
0x3a: {  	_ = 	snop  }
0x3b: {  	_ = 	snop  }
0x3c: {  	p2 =	seq.s32 s10, $0x1;
	s10 =	sld [smem:$0x3FBA]  }
0x3d: {  	_ =	shalt  }
0x3e: {  	_ =	shalt  }
0x3f: {  	_ =	shalt  }
0x40: {  	_ =	shalt  }
0x41: {  	_ =	shalt  }
0x42: {  	_ =	shalt  }
0x43: {  	_ =	shalt  }
0x44: {  	_ =	shalt  }
0x45: {  	_ =	shalt  }
0x46: {  	_ =	shalt  }
0x47: {  	_ =	shalt  }
0x48: {  	_ =	shalt  }
0x49: {  	_ =	shalt  }
0x4a: {  	_ =	shalt  }
0x4b: {  	_ =	shalt  }
0x4c: {  	_ =	shalt  }
0x4d: {  	_ =	shalt  }
0x4e: {  	_ =	shalt  }
0x4f: {  	_ =	shalt  }
0x50: {  	_ =	shalt  }
0x51: {  	_ =	shalt  }
0x52: {  	_ =	shalt  }
0x53: {  	_ =	shalt  }
0x54: {  	_ =	shalt  }
0x55: {  	_ =	shalt  }
0x56: {  	_ =	shalt  }
0x57: {  	_ =	shalt  }
0x58: {  	_ =	shalt  }
0x59: {  	_ =	shalt  }
0x5a: {  	_ =	shalt  }
0x5b: {  	_ =	shalt  }
0x5c: {  	_ =	shalt  }
0x5d: {  	_ =	shalt  }
0x5e: {  	_ =	shalt  }
0x5f: {  	_ =	shalt  }
0x60: {  	_ =	shalt  }
0x61: {  	_ =	shalt  }
0x62: {  	_ =	shalt  }
0x63: {  	_ =	shalt  }
0x64: {  	_ =	shalt  }
0x65: {  	_ =	shalt  }
0x66: {  	_ =	shalt  }
0x67: {  	_ =	shalt  }
0x68: {  	_ =	shalt  }
0x69: {  	_ =	shalt  }
0x6a: {  	_ =	shalt  }
0x6b: {  	_ =	shalt  }
0x6c: {  	_ =	shalt  }
0x6d: {  	_ =	shalt  }
0x6e: {  	_ =	shalt  }
0x6f: {  	_ =	shalt  }
0x70: {  	_ =	shalt  }
0x71: {  	_ =	shalt  }
0x72: {  	_ =	shalt  }
0x73: {  	_ =	shalt  }
0x74: {  	_ =	shalt  }
0x75: {  	_ =	shalt  }
0x76: {  	_ =	shalt  }
0x77: {  	_ =	shalt  }
0x78: {  	_ =	shalt  }
0x79: {  	_ =	shalt  }
0x7a: {  	_ =	shalt  }
0x7b: {  	_ =	shalt  }
0x7c: {  	_ =	shalt  }
0x7d: {  	_ =	shalt  }
0x7e: {  	_ =	shalt  }
0x7f: {  	_ =	shalt  }
0x80: {  	_ =	shalt  }
0x81: {  	_ =	shalt  }
0x82: {  	_ =	shalt  }
0x83: {  	_ =	shalt  }
0x84: {  	_ =	shalt  }
0x85: {  	_ =	shalt  }
0x86: {  	_ =	shalt  }
0x87: {  	_ =	shalt  }
.Lfunc_end0:
.L_simem_size_0:
called_computation_lowered:
.L_overlay_start_0:
0x88: {  	s2 =	sld [smem:$0x3FD9]  }
0x89: {  	s3 =	sld [smem:$0x3FFE];
	_ =	sdelay $0x1  }
0x8a: {  	s1 =	srdreg.scid  }
0x8b: {  	s0 =	sand.u32 $0x1, s1  }
0x8c: {  	s18 =	sshll.u32 s0, $0xA;
	s2 =	sadd.s32 s3, s2  }
0x8d: {  	s2 =	sadd.s32 s2, s18  }
0x8e: {  	[smem:$0x3FC6] =	sst s2  }
0x8f: {  	_ = 	snop  }
0x90: {  	s2 =	sld [smem:$0x3FC9]  }
0x91: {  	s19 =	sld [smem:$0x3FC8]  }
0x92: {  	s4 =	sld [smem:$0x3FD0];
	(tm) =	ssettm $0x1  }
0x93: {  	s5 =	sld [smem:$0x3FFB];
	_ =	sdelay $0x3  }
0x94: {  	_ =	strace s5  }
0x95: {  	s5 =	sld [smem:$0x3FFC];
	_ =	sdelay $0x3  }
0x96: {  	_ =	strace s5  }
0x97: {  	s5 =	sld [smem:$0x3FFD];
	_ =	sdelay $0x3  }
0x98: {  	_ =	strace s5  }
0x99: {  	_ =	strace $0x8FFFFFFF  }
0x9a: {  	s20 =	sld [smem:$0x3FDB];
	_ =	sdelay $0x1  }
0x9b: {  	s6 =	simm.s32 $_scs_section_size  }
0x9c: {  	s7 =	simm.s32 $_size__tile_overlayer_lowered;
	s8 =	simm.s32 $_tile_overlayer_lowered  }
0x9d: {  	s23 =	simm.s32 $0x1BFF;
	s22 =	sshll.u32 s8, $0x1;
	s5 =	sadd.s32 s6, s20  }
0x9e: {  	s9 =	simm.s32 $0x0;
	s21 =	sshll.u32 s7, $0x1;
	s7 =	sadd.s32 s22, s5  }
0x9f: {  	[timem:s9], [sflag:s23] =	dma.local [hbm:s7], s21  }
0xa0: {  	_ =	swait.ge [sflag:s23], s21  }
0xa1: {  	s6 =	ssub.s32 $0x0, s21;
	[sflag:s23] =	ssyncset.done $0x0  }
0xa2: {  	[sflag:s23] =	ssyncadd.s32 s6;
	_ =	sdelay $0x1  }
0xa3: {  	s24 =	simm.s32 $0x1B8B  }
0xa4: {  	_ =	swait.ge [sflag:s24], $0x1  }
0xa5: {  	[sflag:s24] =	ssyncset.done $0x0  }
0xa6: {  	s25 =	simm.s32 $0x1B8E;
	[sflag:s24] =	ssyncadd.s32 $0xFFFFFFFF  }
0xa7: {  	s26 =	simm.s32 $execute0_lowered;
	[smem:$0x3FD2] =	sst s25  }
0xa8: {  	s6 =	sshll.u32 s26, $0x1;
	_ =	strace $0x80000046;
	[dreg:$0x1] =	wrdreg $0xFFFFFFFF  }
0xa9: {  	s28 =	simm.s32 $_size_execute0_lowered;
	s5 =	sadd.s32 s5, s6;
	[dreg:$0x0] =	wrdreg $0x0  }
0xaa: {  	s6 =	sshll.u32 s28, $0x1;
	[dreg:$0x2] =	wrdreg s5  }
0xab: {  	[dreg:$0x3] =	wrdreg s6  }
0xac: {  	[dreg:$0x4] =	wrdreg $0xC0  }
0xad: {  	_ =	task [dreg:s9], $0x5FFFF  }
0xae: {  	[dreg:$0x1] =	wrdreg $0xFFFFFFFF  }
0xaf: {  	[dreg:$0x0] =	wrdreg $0x60  }
0xb0: {  	[dreg:$0x2] =	wrdreg s2  }
0xb1: {  	[dreg:$0x3] =	wrdreg s19  }
0xb2: {  	[dreg:$0x4] =	wrdreg s4  }
0xb3: {  	[dreg:$0x5] =	wrdreg $0x9  }
0xb4: {  	_ =	task.clear_ibuf [dreg:s9], $0x6FFFF;
	_ =	strace $0x90000046  }
0xb5: {  	s29 =	simm.s32 $0x9;
	_ =	strace $0x80000048  }
0xb6: {  	_ =	swait.ge [sflag:s29], $0x1  }
0xb7: {  	[sflag:s29] =	ssyncadd.s32 $0xFFFFFFFF  }
0xb8: {  	_ =	strace $0x90000048  }
0xb9: {  	_ =	sfence  }
0xba: {  	s30 =	sld [smem:$0x0];
	_ =	sdelay $0x2  }
0xbb: {  	s31 =	sshll.u32 s1, $0xD;
	s1 =	sshrl.u32 s1, $0x2  }
0xbc: {  	s3 =	sand.u32 $0x4000, s31;
	s1 =	sadd.s32 s1, s30  }
0xbd: {  	s0 =	sor.u32 s3, s0;
	s1 =	sshll.u32 s1, $0x11  }
0xbe: {  	s0 =	sor.u32 s1, s0  }
0xbf: {  	s0 =	sadd.s32 $0x8F2B, s0  }
0xc0: {  	[sflag:s0] =	ssyncadd.remote.s32 $0x1  }
0xc1: {  	_ =	sfence.sel $0xFFFF  }
0xc2: {  	[dreg:$0x0] =	wrdreg $0xFFFFFFFF;
	(pc) =	sbr.abs _section_cstart, $3  }
0xc3: {  	[dreg:$0x1] =	wrdreg $0xFFFFFFFF  }
0xc4: {  	_ =	task.clear_ibuf [dreg:s9], $0x2FFFF;
	_ =	strace $0x9FFFFFFF  }
0xc5: {  	(tm) =	ssettm $0x7FFFFFFF  }
tec
execute0_lowered:
.L_overlay_start_1:
0x0: {  	(tag) =	ssettag $0x1  }
0x1: {  	s1 =	rddreg [dreg:$0x0]  }
0x2: {  	s2 =	rddreg [dreg:$0x1]  }
0x3: {  	s3 =	rddreg [dreg:$0x2]  }
0x4: {  	s4 =	srdreg.scid;
	s0 =	rddreg [dreg:$0x3];
	s5 =	simm.s32 $0x0  }
0x5: {  	s11 =	simm.s32 $0x80;
	s12 =	simm.s32 $0x400;
	s13 =	simm.s32 $0x18700  }
0x6: {  	s14 =	simm.s32 $0x2;
	s15 =	simm.s32 $0x1;
	s16 =	simm.s32 $0x1C700  }
0x7: {  	s17 =	simm.s32 $0x1D700;
	s18 =	simm.s32 $0x3;
	s19 =	simm.s32 $0x4  }
0x8: {  	s20 =	simm.s32 $0x0;
	s6 =	sand.u32 $0x1, s4;
	s4 =	stileid.u32  }
0x9: {  	[smem:$0x7FF] =	sst s5;
	s7 =	ssub.s32 $0x2, s6;
	s9 =	sshll.u32 s4, $0x1  }
0xa: {  	_ =	strace $0x80000047;
	s8 =	sshrl.u32 s7, $0x1;
	s6 =	sor.u32 s6, s9  }
0xb: {  	s9 =	sadd.s32 $0x3000, s3;
	s10 =	ssub.s32 s7, s8;
	s6 =	smul.u32 $0xD, s6  }
0xc: {  	s7 =	sadd.s32 $0x1000, s3;
	s8 =	sadd.s32 $0x2000, s3;
	s10 =	smax.u32 s10, $0x1  }
.LBB2_1:
0xd: {  	s21 =	simm.s32 $0x0  }
.LBB2_2:
0xe: {  	s25 =	sadd.s32 s6, s21  }
0xf: {  	s22 =	sshrl.u32 s25, $0x4;
	s23 =	sand.u32 $0xF, s25  }
0x10: {  	p0 =	seq.s32 s21, $0x0;
	s24 =	smul.u32 $0x187000, s22;
	s26 =	sshrl.u32 s23, $0x3  }
0x11: {  	p1 =	seq.s32 @!p0 s23, $0x0;
	s26 =	smul.u32 $0xC3800, s26  }
0x12: {  	s28 =	sshll.u32 s25, $0x7;
	p1 =	por p0, p1  }
.Ltmp0:
0x13: {  	s26 =	sadd.s32 s24, s26;
	s24 =	sand.u32 $0x380, s28;
	(pc) =	sbr.rel @p1 .LBB2_4-.Ltmp0, $4  }
0x14: {  	s26 =	sor.u32 s24, s26  }
0x15: {  	s26 =	sshrl.u32 s26, $0x3  }
0x16: {  	s26 =	sadd.s32 s2, s26  }
0x17: {  	[tilespmem:s5], [sflag:$0x1] =	stream.strided.gather [hbm4b:s26+s11], $0x18700, s12, s11, $0x38;
	[tilespmem:$0x1E700] =	vst v63  }
.Ltmp1:
0x18: {  	(pc) =	sbr.rel .LBB2_5-.Ltmp1, $4  }
0x19: {  	_ = 	snop  }
0x1a: {  	_ =	swait.ge [sflag:s15], $0x18700  }
0x1b: {  	[sflag:s15] =	ssyncset.done $0x0  }
0x1c: {  	[sflag:s15] =	ssyncadd.s32 $0xFFFE7900  }
.LBB2_4:
0x1d: {  	s26 =	sshll.u32 s22, $0xB;
	s25 =	sand.u32 $0x70, s25  }
0x1e: {  	s26 =	sand.u32 $0xFFFC000, s26;
	s25 =	sadd.s32 s1, s25  }
0x1f: {  	s25 =	sadd.s32 s26, s25  }
0x20: {  	[tilespmem:s13], [sflag:$0x2] =	stream.strided.gather [hbm4b:s25+s11], $0x4000, s12, s11, $0x38;
	[tilespmem:$0x1E700] =	vst v63  }
0x21: {  	_ =	swait.ge [sflag:s14], $0x4000  }
.Ltmp2:
0x22: {  	[sflag:s14] =	ssyncset.done $0x0;
	(pc) =	sbr.rel @p0 .LBB2_6-.Ltmp2, $4  }
0x23: {  	[sflag:s14] =	ssyncadd.s32 $0xFFFFC000  }
0x24: {  	_ =	swait.ge [sflag:s15], $0x18700  }
0x25: {  	[sflag:s15] =	ssyncset.done $0x0  }
0x26: {  	[sflag:s15] =	ssyncadd.s32 $0xFFFE7900  }
.LBB2_5:
0x27: {  	_ =	swait.ge [sflag:s18], $0x1000  }
0x28: {  	[sflag:s18] =	ssyncset.done $0x0  }
0x29: {  	[sflag:s18] =	ssyncadd.s32 $0xFFFFF000  }
.LBB2_6:
0x2a: {  	s25 =	simm.s32 $0x0  }
0x2b: {  	v0 =	vld [tilespmem:s25+$0x18700];
	_ =	sdelay $0x5  }
0x2c: {  	v1 =	vld [tilespmem:s25+$0x18710];
	_ =	sdelay $0x1  }
0x2d: {  	v0 =	vld.idx.msk [tilespmem:v0+s5+$0x0], $0xffff;
	_ =	sdelay $0x4  }
0x2e: {  	[tilespmem:s25+$0x1C700] =	vst v0;
	v0 =	vld [tilespmem:s25+$0x18720]  }
0x2f: {  	v1 =	vld.idx.msk [tilespmem:v1+s5+$0x0], $0xffff;
	_ =	sdelay $0x4  }
0x30: {  	[tilespmem:s25+$0x1C710] =	vst v1;
	v1 =	vld [tilespmem:s25+$0x18730];
	_ =	sdelay $0x1  }
0x31: {  	v0 =	vld.idx.msk [tilespmem:v0+s5+$0x0], $0xffff;
	_ =	sdelay $0x4  }
0x32: {  	[tilespmem:s25+$0x1C720] =	vst v0;
	v0 =	vld [tilespmem:s25+$0x18740]  }
0x33: {  	v1 =	vld.idx.msk [tilespmem:v1+s5+$0x0], $0xffff;
	_ =	sdelay $0x4  }
0x34: {  	[tilespmem:s25+$0x1C730] =	vst v1;
	v1 =	vld [tilespmem:s25+$0x18750];
	_ =	sdelay $0x1  }
0x35: {  	v0 =	vld.idx.msk [tilespmem:v0+s5+$0x0], $0xffff;
	_ =	sdelay $0x4  }
0x36: {  	v2 =	vld [tilespmem:s25+$0x18760];
	[tilespmem:s25+$0x1C740] =	vst v0  }
0x37: {  	v0 =	vld.idx.msk [tilespmem:v1+s5+$0x0], $0xffff;
	_ =	sdelay $0x4  }
0x38: {  	[tilespmem:s25+$0x1C750] =	vst v0;
	v0 =	vld [tilespmem:s25+$0x18770];
	_ =	sdelay $0x1  }
0x39: {  	v1 =	vld.idx.msk [tilespmem:v2+s5+$0x0], $0xffff;
	_ =	sdelay $0x3  }
0x3a: {  	s28 =	simm.s32 $0x80;
	s26 =	simm.s32 $0x400  }
.LBB2_7:
0x3b: {  	p1 =	sne.s32 s26, $0x3E00;
	v2 =	vld [tilespmem:s28+$0x18700];
	[tilespmem:s25+$0x1C760] =	vst v1  }
0x3c: {  	v0 =	vld.idx.msk [tilespmem:v0+s5+$0x0], $0xffff;
	_ =	sdelay $0x5  }
0x3d: {  	v1 =	vld [tilespmem:s28+$0x18710];
	[tilespmem:s25+$0x1C770] =	vst v0;
	s25 =	smov.u32 s28  }
0x3e: {  	v0 =	vld.idx.msk [tilespmem:v2+s5+$0x0], $0xffff;
	_ =	sdelay $0x5  }
0x3f: {  	[tilespmem:s25+$0x1C700] =	vst v0;
	v0 =	vld [tilespmem:s25+$0x18720]  }
0x40: {  	v1 =	vld.idx.msk [tilespmem:v1+s5+$0x0], $0xffff;
	_ =	sdelay $0x5  }
0x41: {  	[tilespmem:s25+$0x1C710] =	vst v1;
	v1 =	vld [tilespmem:s25+$0x18730]  }
0x42: {  	v0 =	vld.idx.msk [tilespmem:v0+s5+$0x0], $0xffff;
	_ =	sdelay $0x5  }
0x43: {  	[tilespmem:s25+$0x1C720] =	vst v0;
	v0 =	vld [tilespmem:s25+$0x18740]  }
0x44: {  	v1 =	vld.idx.msk [tilespmem:v1+s5+$0x0], $0xffff;
	_ =	sdelay $0x5  }
0x45: {  	[tilespmem:s25+$0x1C730] =	vst v1;
	v1 =	vld [tilespmem:s25+$0x18750]  }
0x46: {  	v0 =	vld.idx.msk [tilespmem:v0+s5+$0x0], $0xffff;
	_ =	sdelay $0x5  }
0x47: {  	[tilespmem:s25+$0x1C740] =	vst v0;
	v2 =	vld [tilespmem:s25+$0x18760]  }
0x48: {  	v0 =	vld.idx.msk [tilespmem:v1+s5+$0x0], $0xffff;
	_ =	sdelay $0x5  }
0x49: {  	[tilespmem:s25+$0x1C750] =	vst v0;
	v0 =	vld [tilespmem:s25+$0x18770]  }
0x4a: {  	v1 =	vld.idx.msk [tilespmem:v2+s5+$0x0], $0xffff  }
.Ltmp3:
0x4b: {  	(pc) =	sbr.rel @p1 .LBB2_7-.Ltmp3, $2  }
0x4c: {  	_ =	sdelay $0x2  }
0x4d: {  	s28 =	sshra.s32 s26, $0x2;
	s26 =	sadd.s32 $0x200, s26  }
0x4e: {  	_ =	sdelay $0x1  }
0x4f: {  	v2 =	vld [tilespmem:s28+$0x18700]  }
0x50: {  	[tilespmem:s25+$0x1C760] =	vst v1  }
0x51: {  	v0 =	vld.idx.msk [tilespmem:v0+s5+$0x0], $0xffff;
	_ =	sdelay $0x3  }
0x52: {  	v1 =	vld [tilespmem:s28+$0x18710]  }
0x53: {  	[tilespmem:s25+$0x1C770] =	vst v0  }
0x54: {  	v0 =	vld.idx.msk [tilespmem:v2+s5+$0x0], $0xffff;
	_ =	sdelay $0x4  }
0x55: {  	[tilespmem:s28+$0x1C700] =	vst v0;
	v0 =	vld [tilespmem:s28+$0x18720]  }
0x56: {  	v1 =	vld.idx.msk [tilespmem:v1+s5+$0x0], $0xffff;
	_ =	sdelay $0x4  }
0x57: {  	[tilespmem:s28+$0x1C710] =	vst v1;
	v1 =	vld [tilespmem:s28+$0x18730];
	_ =	sdelay $0x1  }
0x58: {  	v0 =	vld.idx.msk [tilespmem:v0+s5+$0x0], $0xffff;
	_ =	sdelay $0x4  }
0x59: {  	[tilespmem:s28+$0x1C720] =	vst v0;
	v0 =	vld [tilespmem:s28+$0x18740]  }
0x5a: {  	v1 =	vld.idx.msk [tilespmem:v1+s5+$0x0], $0xffff;
	_ =	sdelay $0x4  }
0x5b: {  	[tilespmem:s28+$0x1C730] =	vst v1;
	v1 =	vld [tilespmem:s28+$0x18750];
	_ =	sdelay $0x1  }
0x5c: {  	v0 =	vld.idx.msk [tilespmem:v0+s5+$0x0], $0xffff;
	_ =	sdelay $0x4  }
0x5d: {  	[tilespmem:s28+$0x1C740] =	vst v0;
	v0 =	vld [tilespmem:s28+$0x18760]  }
0x5e: {  	v1 =	vld.idx.msk [tilespmem:v1+s5+$0x0], $0xffff;
	_ =	sdelay $0x4  }
0x5f: {  	[tilespmem:s28+$0x1C750] =	vst v1;
	v1 =	vld [tilespmem:s28+$0x18770];
	_ =	sdelay $0x1  }
0x60: {  	v0 =	vld.idx.msk [tilespmem:v0+s5+$0x0], $0xffff;
	_ =	sdelay $0x4  }
0x61: {  	[tilespmem:s28+$0x1C760] =	vst v0  }
0x62: {  	s23 =	sshll.u32 s23, $0xE;
	v0 =	vld.idx.msk [tilespmem:v1+s5+$0x0], $0xffff  }
0x63: {  	s22 =	sshll.u32 s22, $0x12;
	s23 =	sand.u32 $0x20000, s23  }
0x64: {  	s22 =	sor.u32 s22, s23  }
0x65: {  	s22 =	sor.u32 s24, s22  }
0x66: {  	s22 =	sshrl.u32 s22, $0x3  }
0x67: {  	s23 =	simm.s32 @!p0 $0x4;
	s31 =	sadd.s32 s3, s22;
	[tilespmem:s28+$0x1C770] =	vst v0  }
0x68: {  	[hbm4b:s31+s11] =	stream.strided.scatter [tilespmem:s16], [sflag:$0x3], $0x1000, s12, s11, $0x38;
	[tilespmem:$0x1E700] =	vst v63  }
0x69: {  	_ =	swait.ge @!p0 [sflag:s23], $0x1000  }
0x6a: {  	[sflag:s23] =	ssyncset.done @!p0 $0x0  }
0x6b: {  	[sflag:s23] =	ssyncadd.s32 @!p0 $0xFFFFF000;
	s23 =	simm.s32 $0x0  }
0x6c: {  	v0 =	vld [tilespmem:s23+$0x19700];
	_ =	sdelay $0x5  }
0x6d: {  	v1 =	vld [tilespmem:s23+$0x19710];
	_ =	sdelay $0x1  }
0x6e: {  	v0 =	vld.idx.msk [tilespmem:v0+s5+$0x0], $0xffff;
	_ =	sdelay $0x4  }
0x6f: {  	[tilespmem:s23+$0x1D700] =	vst v0;
	v0 =	vld [tilespmem:s23+$0x19720]  }
0x70: {  	v1 =	vld.idx.msk [tilespmem:v1+s5+$0x0], $0xffff;
	_ =	sdelay $0x4  }
0x71: {  	[tilespmem:s23+$0x1D710] =	vst v1;
	v1 =	vld [tilespmem:s23+$0x19730];
	_ =	sdelay $0x1  }
0x72: {  	v0 =	vld.idx.msk [tilespmem:v0+s5+$0x0], $0xffff;
	_ =	sdelay $0x4  }
0x73: {  	[tilespmem:s23+$0x1D720] =	vst v0;
	v0 =	vld [tilespmem:s23+$0x19740]  }
0x74: {  	v1 =	vld.idx.msk [tilespmem:v1+s5+$0x0], $0xffff;
	_ =	sdelay $0x4  }
0x75: {  	[tilespmem:s23+$0x1D730] =	vst v1;
	v1 =	vld [tilespmem:s23+$0x19750];
	_ =	sdelay $0x1  }
0x76: {  	v0 =	vld.idx.msk [tilespmem:v0+s5+$0x0], $0xffff;
	_ =	sdelay $0x4  }
0x77: {  	v2 =	vld [tilespmem:s23+$0x19760];
	[tilespmem:s23+$0x1D740] =	vst v0  }
0x78: {  	v0 =	vld.idx.msk [tilespmem:v1+s5+$0x0], $0xffff;
	_ =	sdelay $0x4  }
0x79: {  	[tilespmem:s23+$0x1D750] =	vst v0;
	v0 =	vld [tilespmem:s23+$0x19770];
	_ =	sdelay $0x1  }
0x7a: {  	v1 =	vld.idx.msk [tilespmem:v2+s5+$0x0], $0xffff;
	_ =	sdelay $0x3  }
0x7b: {  	s24 =	simm.s32 $0x400;
	s25 =	simm.s32 $0x80  }
.LBB2_9:
0x7c: {  	p0 =	sne.s32 s24, $0x3E00;
	v2 =	vld [tilespmem:s25+$0x19700];
	[tilespmem:s23+$0x1D760] =	vst v1  }
0x7d: {  	v0 =	vld.idx.msk [tilespmem:v0+s5+$0x0], $0xffff;
	_ =	sdelay $0x5  }
0x7e: {  	v1 =	vld [tilespmem:s25+$0x19710];
	[tilespmem:s23+$0x1D770] =	vst v0;
	s23 =	smov.u32 s25  }
0x7f: {  	v0 =	vld.idx.msk [tilespmem:v2+s5+$0x0], $0xffff;
	_ =	sdelay $0x5  }
0x80: {  	[tilespmem:s23+$0x1D700] =	vst v0;
	v0 =	vld [tilespmem:s23+$0x19720]  }
0x81: {  	v1 =	vld.idx.msk [tilespmem:v1+s5+$0x0], $0xffff;
	_ =	sdelay $0x5  }
0x82: {  	[tilespmem:s23+$0x1D710] =	vst v1;
	v1 =	vld [tilespmem:s23+$0x19730]  }
0x83: {  	v0 =	vld.idx.msk [tilespmem:v0+s5+$0x0], $0xffff;
	_ =	sdelay $0x5  }
0x84: {  	[tilespmem:s23+$0x1D720] =	vst v0;
	v0 =	vld [tilespmem:s23+$0x19740]  }
0x85: {  	v1 =	vld.idx.msk [tilespmem:v1+s5+$0x0], $0xffff;
	_ =	sdelay $0x5  }
0x86: {  	[tilespmem:s23+$0x1D730] =	vst v1;
	v1 =	vld [tilespmem:s23+$0x19750]  }
0x87: {  	v0 =	vld.idx.msk [tilespmem:v0+s5+$0x0], $0xffff;
	_ =	sdelay $0x5  }
0x88: {  	[tilespmem:s23+$0x1D740] =	vst v0;
	v2 =	vld [tilespmem:s23+$0x19760]  }
0x89: {  	v0 =	vld.idx.msk [tilespmem:v1+s5+$0x0], $0xffff;
	_ =	sdelay $0x5  }
0x8a: {  	[tilespmem:s23+$0x1D750] =	vst v0;
	v0 =	vld [tilespmem:s23+$0x19770]  }
0x8b: {  	v1 =	vld.idx.msk [tilespmem:v2+s5+$0x0], $0xffff  }
.Ltmp4:
0x8c: {  	(pc) =	sbr.rel @p0 .LBB2_9-.Ltmp4, $2  }
0x8d: {  	_ =	sdelay $0x2  }
0x8e: {  	s25 =	sshra.s32 s24, $0x2;
	s24 =	sadd.s32 $0x200, s24  }
0x8f: {  	_ =	sdelay $0x1  }
0x90: {  	v2 =	vld [tilespmem:s25+$0x19700]  }
0x91: {  	[tilespmem:s23+$0x1D760] =	vst v1  }
0x92: {  	v0 =	vld.idx.msk [tilespmem:v0+s5+$0x0], $0xffff;
	_ =	sdelay $0x3  }
0x93: {  	v1 =	vld [tilespmem:s25+$0x19710]  }
0x94: {  	[tilespmem:s23+$0x1D770] =	vst v0  }
0x95: {  	v0 =	vld.idx.msk [tilespmem:v2+s5+$0x0], $0xffff;
	_ =	sdelay $0x4  }
0x96: {  	[tilespmem:s25+$0x1D700] =	vst v0;
	v0 =	vld [tilespmem:s25+$0x19720]  }
0x97: {  	v1 =	vld.idx.msk [tilespmem:v1+s5+$0x0], $0xffff;
	_ =	sdelay $0x4  }
0x98: {  	[tilespmem:s25+$0x1D710] =	vst v1;
	v1 =	vld [tilespmem:s25+$0x19730];
	_ =	sdelay $0x1  }
0x99: {  	v0 =	vld.idx.msk [tilespmem:v0+s5+$0x0], $0xffff;
	_ =	sdelay $0x4  }
0x9a: {  	[tilespmem:s25+$0x1D720] =	vst v0;
	v0 =	vld [tilespmem:s25+$0x19740]  }
0x9b: {  	v1 =	vld.idx.msk [tilespmem:v1+s5+$0x0], $0xffff;
	_ =	sdelay $0x4  }
0x9c: {  	[tilespmem:s25+$0x1D730] =	vst v1;
	v1 =	vld [tilespmem:s25+$0x19750];
	_ =	sdelay $0x1  }
0x9d: {  	v0 =	vld.idx.msk [tilespmem:v0+s5+$0x0], $0xffff;
	_ =	sdelay $0x4  }
0x9e: {  	[tilespmem:s25+$0x1D740] =	vst v0;
	v0 =	vld [tilespmem:s25+$0x19760]  }
0x9f: {  	v1 =	vld.idx.msk [tilespmem:v1+s5+$0x0], $0xffff;
	_ =	sdelay $0x4  }
0xa0: {  	[tilespmem:s25+$0x1D750] =	vst v1;
	v1 =	vld [tilespmem:s25+$0x19770];
	_ =	sdelay $0x1  }
0xa1: {  	v0 =	vld.idx.msk [tilespmem:v0+s5+$0x0], $0xffff;
	_ =	sdelay $0x4  }
0xa2: {  	[tilespmem:s25+$0x1D760] =	vst v0  }
0xa3: {  	v0 =	vld.idx.msk [tilespmem:v1+s5+$0x0], $0xffff;
	_ =	sdelay $0x4  }
0xa4: {  	s31 =	sadd.s32 s22, s7;
	[tilespmem:s25+$0x1D770] =	vst v0  }
0xa5: {  	[hbm4b:s31+s11] =	stream.strided.scatter [tilespmem:s17], [sflag:$0x4], $0x1000, s12, s11, $0x38;
	[tilespmem:$0x1E700] =	vst v63  }
0xa6: {  	_ =	swait.ge [sflag:s18], $0x1000  }
0xa7: {  	[sflag:s18] =	ssyncset.done $0x0  }
0xa8: {  	s23 =	simm.s32 $0x0;
	[sflag:s18] =	ssyncadd.s32 $0xFFFFF000  }
0xa9: {  	v0 =	vld [tilespmem:s23+$0x1A700];
	_ =	sdelay $0x5  }
0xaa: {  	v1 =	vld [tilespmem:s23+$0x1A710];
	_ =	sdelay $0x1  }
0xab: {  	v0 =	vld.idx.msk [tilespmem:v0+s5+$0x0], $0xffff;
	_ =	sdelay $0x4  }
0xac: {  	[tilespmem:s23+$0x1C700] =	vst v0;
	v0 =	vld [tilespmem:s23+$0x1A720]  }
0xad: {  	v1 =	vld.idx.msk [tilespmem:v1+s5+$0x0], $0xffff;
	_ =	sdelay $0x4  }
0xae: {  	[tilespmem:s23+$0x1C710] =	vst v1;
	v1 =	vld [tilespmem:s23+$0x1A730];
	_ =	sdelay $0x1  }
0xaf: {  	v0 =	vld.idx.msk [tilespmem:v0+s5+$0x0], $0xffff;
	_ =	sdelay $0x4  }
0xb0: {  	[tilespmem:s23+$0x1C720] =	vst v0;
	v0 =	vld [tilespmem:s23+$0x1A740]  }
0xb1: {  	v1 =	vld.idx.msk [tilespmem:v1+s5+$0x0], $0xffff;
	_ =	sdelay $0x4  }
0xb2: {  	[tilespmem:s23+$0x1C730] =	vst v1;
	v1 =	vld [tilespmem:s23+$0x1A750];
	_ =	sdelay $0x1  }
0xb3: {  	v0 =	vld.idx.msk [tilespmem:v0+s5+$0x0], $0xffff;
	_ =	sdelay $0x4  }
0xb4: {  	v2 =	vld [tilespmem:s23+$0x1A760];
	[tilespmem:s23+$0x1C740] =	vst v0  }
0xb5: {  	v0 =	vld.idx.msk [tilespmem:v1+s5+$0x0], $0xffff;
	_ =	sdelay $0x4  }
0xb6: {  	[tilespmem:s23+$0x1C750] =	vst v0;
	v0 =	vld [tilespmem:s23+$0x1A770];
	_ =	sdelay $0x1  }
0xb7: {  	v1 =	vld.idx.msk [tilespmem:v2+s5+$0x0], $0xffff;
	_ =	sdelay $0x3  }
0xb8: {  	s24 =	simm.s32 $0x400;
	s25 =	simm.s32 $0x80  }
.LBB2_11:
0xb9: {  	p0 =	sne.s32 s24, $0x3E00;
	v2 =	vld [tilespmem:s25+$0x1A700];
	[tilespmem:s23+$0x1C760] =	vst v1  }
0xba: {  	v0 =	vld.idx.msk [tilespmem:v0+s5+$0x0], $0xffff;
	_ =	sdelay $0x5  }
0xbb: {  	v1 =	vld [tilespmem:s25+$0x1A710];
	[tilespmem:s23+$0x1C770] =	vst v0;
	s23 =	smov.u32 s25  }
0xbc: {  	v0 =	vld.idx.msk [tilespmem:v2+s5+$0x0], $0xffff;
	_ =	sdelay $0x5  }
0xbd: {  	[tilespmem:s23+$0x1C700] =	vst v0;
	v0 =	vld [tilespmem:s23+$0x1A720]  }
0xbe: {  	v1 =	vld.idx.msk [tilespmem:v1+s5+$0x0], $0xffff;
	_ =	sdelay $0x5  }
0xbf: {  	[tilespmem:s23+$0x1C710] =	vst v1;
	v1 =	vld [tilespmem:s23+$0x1A730]  }
0xc0: {  	v0 =	vld.idx.msk [tilespmem:v0+s5+$0x0], $0xffff;
	_ =	sdelay $0x5  }
0xc1: {  	[tilespmem:s23+$0x1C720] =	vst v0;
	v0 =	vld [tilespmem:s23+$0x1A740]  }
0xc2: {  	v1 =	vld.idx.msk [tilespmem:v1+s5+$0x0], $0xffff;
	_ =	sdelay $0x5  }
0xc3: {  	[tilespmem:s23+$0x1C730] =	vst v1;
	v1 =	vld [tilespmem:s23+$0x1A750]  }
0xc4: {  	v0 =	vld.idx.msk [tilespmem:v0+s5+$0x0], $0xffff;
	_ =	sdelay $0x5  }
0xc5: {  	[tilespmem:s23+$0x1C740] =	vst v0;
	v2 =	vld [tilespmem:s23+$0x1A760]  }
0xc6: {  	v0 =	vld.idx.msk [tilespmem:v1+s5+$0x0], $0xffff;
	_ =	sdelay $0x5  }
0xc7: {  	[tilespmem:s23+$0x1C750] =	vst v0;
	v0 =	vld [tilespmem:s23+$0x1A770]  }
0xc8: {  	v1 =	vld.idx.msk [tilespmem:v2+s5+$0x0], $0xffff  }
.Ltmp5:
0xc9: {  	(pc) =	sbr.rel @p0 .LBB2_11-.Ltmp5, $2  }
0xca: {  	_ =	sdelay $0x2  }
0xcb: {  	s25 =	sshra.s32 s24, $0x2;
	s24 =	sadd.s32 $0x200, s24  }
0xcc: {  	_ =	sdelay $0x1  }
0xcd: {  	v2 =	vld [tilespmem:s25+$0x1A700]  }
0xce: {  	[tilespmem:s23+$0x1C760] =	vst v1  }
0xcf: {  	v0 =	vld.idx.msk [tilespmem:v0+s5+$0x0], $0xffff;
	_ =	sdelay $0x3  }
0xd0: {  	v1 =	vld [tilespmem:s25+$0x1A710]  }
0xd1: {  	[tilespmem:s23+$0x1C770] =	vst v0  }
0xd2: {  	v0 =	vld.idx.msk [tilespmem:v2+s5+$0x0], $0xffff;
	_ =	sdelay $0x4  }
0xd3: {  	[tilespmem:s25+$0x1C700] =	vst v0;
	v0 =	vld [tilespmem:s25+$0x1A720]  }
0xd4: {  	v1 =	vld.idx.msk [tilespmem:v1+s5+$0x0], $0xffff;
	_ =	sdelay $0x4  }
0xd5: {  	[tilespmem:s25+$0x1C710] =	vst v1;
	v1 =	vld [tilespmem:s25+$0x1A730];
	_ =	sdelay $0x1  }
0xd6: {  	v0 =	vld.idx.msk [tilespmem:v0+s5+$0x0], $0xffff;
	_ =	sdelay $0x4  }
0xd7: {  	[tilespmem:s25+$0x1C720] =	vst v0;
	v0 =	vld [tilespmem:s25+$0x1A740]  }
0xd8: {  	v1 =	vld.idx.msk [tilespmem:v1+s5+$0x0], $0xffff;
	_ =	sdelay $0x4  }
0xd9: {  	[tilespmem:s25+$0x1C730] =	vst v1;
	v1 =	vld [tilespmem:s25+$0x1A750];
	_ =	sdelay $0x1  }
0xda: {  	v0 =	vld.idx.msk [tilespmem:v0+s5+$0x0], $0xffff;
	_ =	sdelay $0x4  }
0xdb: {  	[tilespmem:s25+$0x1C740] =	vst v0;
	v0 =	vld [tilespmem:s25+$0x1A760]  }
0xdc: {  	v1 =	vld.idx.msk [tilespmem:v1+s5+$0x0], $0xffff;
	_ =	sdelay $0x4  }
0xdd: {  	[tilespmem:s25+$0x1C750] =	vst v1;
	v1 =	vld [tilespmem:s25+$0x1A770];
	_ =	sdelay $0x1  }
0xde: {  	v0 =	vld.idx.msk [tilespmem:v0+s5+$0x0], $0xffff;
	_ =	sdelay $0x4  }
0xdf: {  	[tilespmem:s25+$0x1C760] =	vst v0  }
0xe0: {  	v0 =	vld.idx.msk [tilespmem:v1+s5+$0x0], $0xffff;
	_ =	sdelay $0x4  }
0xe1: {  	s31 =	sadd.s32 s22, s8;
	[tilespmem:s25+$0x1C770] =	vst v0  }
0xe2: {  	[hbm4b:s31+s11] =	stream.strided.scatter [tilespmem:s16], [sflag:$0x3], $0x1000, s12, s11, $0x38;
	[tilespmem:$0x1E700] =	vst v63  }
0xe3: {  	_ =	swait.ge [sflag:s19], $0x1000  }
0xe4: {  	[sflag:s19] =	ssyncset.done $0x0  }
0xe5: {  	s23 =	simm.s32 $0x0;
	[sflag:s19] =	ssyncadd.s32 $0xFFFFF000  }
0xe6: {  	v0 =	vld [tilespmem:s23+$0x1B700];
	_ =	sdelay $0x5  }
0xe7: {  	v1 =	vld [tilespmem:s23+$0x1B710];
	_ =	sdelay $0x1  }
0xe8: {  	v0 =	vld.idx.msk [tilespmem:v0+s5+$0x0], $0xffff;
	_ =	sdelay $0x4  }
0xe9: {  	[tilespmem:s23+$0x1D700] =	vst v0;
	v0 =	vld [tilespmem:s23+$0x1B720]  }
0xea: {  	v1 =	vld.idx.msk [tilespmem:v1+s5+$0x0], $0xffff;
	_ =	sdelay $0x4  }
0xeb: {  	[tilespmem:s23+$0x1D710] =	vst v1;
	v1 =	vld [tilespmem:s23+$0x1B730];
	_ =	sdelay $0x1  }
0xec: {  	v0 =	vld.idx.msk [tilespmem:v0+s5+$0x0], $0xffff;
	_ =	sdelay $0x4  }
0xed: {  	[tilespmem:s23+$0x1D720] =	vst v0;
	v0 =	vld [tilespmem:s23+$0x1B740]  }
0xee: {  	v1 =	vld.idx.msk [tilespmem:v1+s5+$0x0], $0xffff;
	_ =	sdelay $0x4  }
0xef: {  	[tilespmem:s23+$0x1D730] =	vst v1;
	v1 =	vld [tilespmem:s23+$0x1B750];
	_ =	sdelay $0x1  }
0xf0: {  	v0 =	vld.idx.msk [tilespmem:v0+s5+$0x0], $0xffff;
	_ =	sdelay $0x4  }
0xf1: {  	v2 =	vld [tilespmem:s23+$0x1B760];
	[tilespmem:s23+$0x1D740] =	vst v0  }
0xf2: {  	v0 =	vld.idx.msk [tilespmem:v1+s5+$0x0], $0xffff;
	_ =	sdelay $0x4  }
0xf3: {  	[tilespmem:s23+$0x1D750] =	vst v0;
	v0 =	vld [tilespmem:s23+$0x1B770];
	_ =	sdelay $0x1  }
0xf4: {  	v1 =	vld.idx.msk [tilespmem:v2+s5+$0x0], $0xffff;
	_ =	sdelay $0x3  }
0xf5: {  	s24 =	simm.s32 $0x400;
	s25 =	simm.s32 $0x80  }
.LBB2_13:
0xf6: {  	p0 =	sne.s32 s24, $0x3E00;
	v2 =	vld [tilespmem:s25+$0x1B700];
	[tilespmem:s23+$0x1D760] =	vst v1  }
0xf7: {  	v0 =	vld.idx.msk [tilespmem:v0+s5+$0x0], $0xffff;
	_ =	sdelay $0x5  }
0xf8: {  	v1 =	vld [tilespmem:s25+$0x1B710];
	[tilespmem:s23+$0x1D770] =	vst v0;
	s23 =	smov.u32 s25  }
0xf9: {  	v0 =	vld.idx.msk [tilespmem:v2+s5+$0x0], $0xffff;
	_ =	sdelay $0x5  }
0xfa: {  	[tilespmem:s23+$0x1D700] =	vst v0;
	v0 =	vld [tilespmem:s23+$0x1B720]  }
0xfb: {  	v1 =	vld.idx.msk [tilespmem:v1+s5+$0x0], $0xffff;
	_ =	sdelay $0x5  }
0xfc: {  	[tilespmem:s23+$0x1D710] =	vst v1;
	v1 =	vld [tilespmem:s23+$0x1B730]  }
0xfd: {  	v0 =	vld.idx.msk [tilespmem:v0+s5+$0x0], $0xffff;
	_ =	sdelay $0x5  }
0xfe: {  	[tilespmem:s23+$0x1D720] =	vst v0;
	v0 =	vld [tilespmem:s23+$0x1B740]  }
0xff: {  	v1 =	vld.idx.msk [tilespmem:v1+s5+$0x0], $0xffff;
	_ =	sdelay $0x5  }
0x100: {  	[tilespmem:s23+$0x1D730] =	vst v1;
	v1 =	vld [tilespmem:s23+$0x1B750]  }
0x101: {  	v0 =	vld.idx.msk [tilespmem:v0+s5+$0x0], $0xffff;
	_ =	sdelay $0x5  }
0x102: {  	[tilespmem:s23+$0x1D740] =	vst v0;
	v2 =	vld [tilespmem:s23+$0x1B760]  }
0x103: {  	v0 =	vld.idx.msk [tilespmem:v1+s5+$0x0], $0xffff;
	_ =	sdelay $0x5  }
0x104: {  	[tilespmem:s23+$0x1D750] =	vst v0;
	v0 =	vld [tilespmem:s23+$0x1B770]  }
0x105: {  	v1 =	vld.idx.msk [tilespmem:v2+s5+$0x0], $0xffff  }
.Ltmp6:
0x106: {  	(pc) =	sbr.rel @p0 .LBB2_13-.Ltmp6, $2  }
0x107: {  	_ =	sdelay $0x2  }
0x108: {  	s25 =	sshra.s32 s24, $0x2;
	s24 =	sadd.s32 $0x200, s24  }
0x109: {  	_ =	sdelay $0x1  }
0x10a: {  	v2 =	vld [tilespmem:s25+$0x1B700]  }
0x10b: {  	[tilespmem:s23+$0x1D760] =	vst v1  }
0x10c: {  	v0 =	vld.idx.msk [tilespmem:v0+s5+$0x0], $0xffff;
	_ =	sdelay $0x3  }
0x10d: {  	v1 =	vld [tilespmem:s25+$0x1B710]  }
0x10e: {  	[tilespmem:s23+$0x1D770] =	vst v0  }
0x10f: {  	v0 =	vld.idx.msk [tilespmem:v2+s5+$0x0], $0xffff;
	_ =	sdelay $0x3  }
0x110: {  	v58 =	vld [tilespmem:s25+$0x1B720]  }
0x111: {  	[tilespmem:s25+$0x1D700] =	vst v0  }
0x112: {  	v1 =	vld.idx.msk [tilespmem:v1+s5+$0x0], $0xffff;
	_ =	sdelay $0x3  }
0x113: {  	v59 =	vld [tilespmem:s25+$0x1B730]  }
0x114: {  	[tilespmem:s25+$0x1D710] =	vst v1  }
0x115: {  	v0 =	vld.idx.msk [tilespmem:v58+s5+$0x0], $0xffff;
	_ =	sdelay $0x3  }
0x116: {  	v60 =	vld [tilespmem:s25+$0x1B740]  }
0x117: {  	[tilespmem:s25+$0x1D720] =	vst v0  }
0x118: {  	v1 =	vld.idx.msk [tilespmem:v59+s5+$0x0], $0xffff;
	_ =	sdelay $0x3  }
0x119: {  	v61 =	vld [tilespmem:s25+$0x1B750]  }
0x11a: {  	[tilespmem:s25+$0x1D730] =	vst v1  }
0x11b: {  	v0 =	vld.idx.msk [tilespmem:v60+s5+$0x0], $0xffff;
	_ =	sdelay $0x3  }
0x11c: {  	v62 =	vld [tilespmem:s25+$0x1B760]  }
0x11d: {  	[tilespmem:s25+$0x1D740] =	vst v0  }
0x11e: {  	v1 =	vld.idx.msk [tilespmem:v61+s5+$0x0], $0xffff;
	_ =	sdelay $0x3  }
0x11f: {  	v63 =	vld [tilespmem:s25+$0x1B770]  }
0x120: {  	[tilespmem:s25+$0x1D750] =	vst v1  }
0x121: {  	v0 =	vld.idx.msk [tilespmem:v62+s5+$0x0], $0xffff;
	_ =	sdelay $0x4  }
0x122: {  	[tilespmem:s25+$0x1D760] =	vst v0  }
0x123: {  	s21 =	sadd.s32 $0x1, s21;
	v0 =	vld.idx.msk [tilespmem:v63+s5+$0x0], $0xffff  }
0x124: {  	p0 =	sne.s32 s21, $0xD  }
.Ltmp7:
0x125: {  	_ = 	snop;
	(pc) =	sbr.rel @p0 .LBB2_2-.Ltmp7, $3  }
0x126: {  	_ =	sdelay $0x1  }
0x127: {  	s22 =	sadd.s32 s22, s9;
	[tilespmem:s25+$0x1D770] =	vst v0  }
0x128: {  	[hbm4b:s22+s11] =	stream.strided.scatter [tilespmem:s17], [sflag:$0x4], $0x1000, s12, s11, $0x38;
	[tilespmem:$0x1E700] =	vst v63  }
0x129: {  	s20 =	sadd.s32 $0x1, s20  }
0x12a: {  	_ =	swait.ge [sflag:s18], $0x1000;
	p0 =	sne.s32 s20, s10  }
.Ltmp8:
0x12b: {  	[sflag:s18] =	ssyncset.done $0x0;
	(pc) =	sbr.rel @p0 .LBB2_1-.Ltmp8, $4  }
0x12c: {  	[sflag:s18] =	ssyncadd.s32 $0xFFFFF000  }
0x12d: {  	_ =	swait.ge [sflag:s19], $0x1000  }
0x12e: {  	[sflag:s19] =	ssyncset.done $0x0  }
0x12f: {  	[sflag:s19] =	ssyncadd.s32 $0xFFFFF000  }
0x130: {  	_ =	sfence.sel $0x180000  }
0x131: {  	[bflag:$0x0] =	sbarrier.arrive $0xFFFF  }
0x132: {  	p0 =	sne.s32 s4, $0x0;
	_ =	strace $0x90000047  }
0x133: {  	s0 =	sadd.s32 @!p0 $0x100000, s0;
	[bflag:$0x2] =	sbarrier.arrive $0xFFFF  }
0x134: {  	[sflag:s0] =	ssyncadd.tile.s32 @!p0 $0x1;
	_ =	shalt  }
.Lfunc_end2:
_tile_overlayer_lowered:
.L_overlay_start_2:
0x135: {  	(tag) =	ssettag $0x2  }
0x136: {  	s0 =	rddreg [dreg:$0x0];
	s2 =	stileid.u32  }
0x137: {  	s1 =	rddreg [dreg:$0x1];
	p0 =	sne.s32 s2, $0x0  }
0x138: {  	s3 =	rddreg [dreg:$0x2];
	[bflag:$0x3] =	sbarrier.arrive $0xFFFF;
	s2 =	simm.s32 @!p0 $0x1C05  }
0x139: {  	[timem:s3], [sflag:s2] =	dma.local @!p0 [hbm:s0], s1  }
0x13a: {  	s0 =	simm.s32 @!p0 $0x5  }
0x13b: {  	_ =	swait.ge @!p0 [sflag:s0], s1  }
0x13c: {  	s1 =	ssub.s32 @!p0 $0x0, s1;
	[sflag:s0] =	ssyncset.done @!p0 $0x0  }
0x13d: {  	[sflag:s0] =	ssyncadd.s32 @!p0 s1  }
0x13e: {  	[bflag:$0x3] =	sbarrier.arrive $0xFFFF  }
0x13f: {  	_ =	shalt  }

</sc_bundles>
